<compile_context>
chip_gen: v7x
topology: tpu7x:2x2x1
jax: 0.10.2.dev20260603
libtpu: 0.0.44.dev20260713+nightly
codegen_flags: <defaults>
</compile_context>

<pallas_src>
import functools

import jax
import jax.numpy as jnp
from jax import lax
from jax.experimental import pallas as pl
from jax.experimental.pallas import tpu as pltpu
from jax.experimental.pallas import tpu_sc as plsc

B, S, D, E, TOPK = 128, 577, 1024, 16, 2
NC, NS, L = 2, 16, 16
NW = NC * NS
RPW = B // NW
CHUNKS = D // L
EGRP = 8
UNROLL = 1

_mesh = plsc.VectorSubcoreMesh(core_axis_name="c", subcore_axis_name="s")


@functools.partial(
    pl.kernel,
    out_type=[
        jax.ShapeDtypeStruct((B * TOPK,), jnp.float32),
        jax.ShapeDtypeStruct((B * TOPK,), jnp.int32),
    ],
    mesh=_mesh,
    compiler_params=pltpu.CompilerParams(
        needs_layout_passes=False,
        skip_device_barrier=True,
        disable_bounds_checks=True,
    ),
    scratch_types=[
        pltpu.VMEM((RPW, D), jnp.float32),
        pltpu.VMEM((E, D), jnp.float32),
        pltpu.VMEM((L,), jnp.float32),
        pltpu.VMEM((L,), jnp.float32),
        pltpu.VMEM((L,), jnp.int32),
    ],
)
def _router_kernel(packed_hbm, b_hbm, out_w_hbm, out_i_hbm,
                   x_ref, w_ref, b_ref, ow_ref, oi_ref):
    wid = lax.axis_index("s") * NC + lax.axis_index("c")
    base = wid * RPW

    pltpu.sync_copy(packed_hbm.at[pl.ds(B, E)], w_ref)
    pltpu.sync_copy(b_hbm, b_ref)
    pltpu.sync_copy(packed_hbm.at[pl.ds(base, RPW)], x_ref)

    lanes = lax.iota(jnp.int32, L)
    b_vec = b_ref[...]
    zero = jnp.zeros((L,), jnp.float32)
    lvecs = [zero for _ in range(RPW)]

    for grp in range(E // EGRP):
        e0 = grp * EGRP

        def body(c, accs, e0=e0):
            new = list(accs)
            for u in range(UNROLL):
                off = (c * UNROLL + u) * L
                xs = [x_ref[r, pl.ds(off, L)] for r in range(RPW)]
                for ei in range(EGRP):
                    wv = w_ref[e0 + ei, pl.ds(off, L)]
                    for r in range(RPW):
                        k = ei * RPW + r
                        new[k] = new[k] + xs[r] * wv
            return tuple(new)

        accs = lax.fori_loop(0, CHUNKS // UNROLL, body,
                             tuple(zero for _ in range(EGRP * RPW)))
        for ei in range(EGRP):
            for r in range(RPW):
                s = jnp.sum(accs[ei * RPW + r])
                lvecs[r] = jnp.where(lanes == (e0 + ei), s, lvecs[r])

    neg = jnp.float32(-3.0e38)
    ow = zero
    oi = jnp.zeros((L,), jnp.int32)
    for r in range(RPW):
        lv = lvecs[r] + b_vec
        m1 = jnp.max(lv)
        i1 = jnp.min(jnp.where(lv == m1, lanes, E))
        masked = jnp.where(lanes == i1, neg, lv)
        m2 = jnp.max(masked)
        i2 = jnp.min(jnp.where(masked == m2, lanes, E))
        t = jnp.exp(jnp.full((L,), m2 - m1, jnp.float32))
        w1 = 1.0 / (1.0 + t)
        w2 = t / (1.0 + t)
        ow = jnp.where(lanes == 2 * r, w1, ow)
        ow = jnp.where(lanes == 2 * r + 1, w2, ow)
        oi = jnp.where(lanes == 2 * r, i1, oi)
        oi = jnp.where(lanes == 2 * r + 1, i2, oi)

    ow_ref[...] = ow
    oi_ref[...] = oi
    pltpu.sync_copy(ow_ref.at[pl.ds(0, TOPK * RPW)],
                    out_w_hbm.at[pl.ds(TOPK * base, TOPK * RPW)])
    pltpu.sync_copy(oi_ref.at[pl.ds(0, TOPK * RPW)],
                    out_i_hbm.at[pl.ds(TOPK * base, TOPK * RPW)])


def _round_to_bf16(x):
    u = lax.bitcast_convert_type(x, jnp.uint32)
    r = (u + jnp.uint32(0x7FFF) + ((u >> 16) & jnp.uint32(1))) & jnp.uint32(
        0xFFFF0000
    )
    return lax.bitcast_convert_type(r, jnp.float32)


def kernel(vision_features, W, b):
    packed = _round_to_bf16(
        jnp.concatenate([vision_features[:, 0], W], axis=0))
    ow, oi = _router_kernel(packed, b)
    return ow.reshape(B, TOPK), oi.reshape(B, TOPK)

# --- scband reference (transcript-rebuilt; emitter-appended) ---
"""Pipeline reference for scband-vision-router-16844861735019 (READ-ONLY COPY).

The authoritative reference and input builder live on the scoring server;
editing this copy changes nothing except your own understanding.
"""

import jax, jax.numpy as jnp
import numpy as np

B, S, D, E, TOP_K = 128, 577, 1024, 16, 2

def setup_inputs(seed: int = 0) -> dict:
    key = jax.random.key(seed)
    k1, k2, k3 = jax.random.split(key, 3)
    vision_features = jax.random.normal(k1, (B, S, D), dtype=jnp.float32)
    W = jax.random.normal(k2, (E, D), dtype=jnp.float32) * (1.0 / np.sqrt(D))
    b = jax.random.normal(k3, (E,), dtype=jnp.float32) * 0.01
    return {"vision_features": vision_features, "W": W, "b": b}

def reference(vision_features, W, b):
    # selector(vision_features[:, 0, :]) -- CLS-token routing
    cls_tok = vision_features[:, 0, :]
    router_logits = cls_tok @ W.T + b
    routing_weights, selected_experts = jax.lax.top_k(router_logits, TOP_K)
    routing_weights = jax.nn.softmax(routing_weights, axis=1).astype(router_logits.dtype)
    return (routing_weights, selected_experts)

if __name__ == "__main__":
    import jax
    _d = setup_inputs()
    print(jax.jit(kernel)(*tuple(_d.values())))

</pallas_src>

<mosaic_0001>
#map = affine_map<(d0, d1) -> (0, 0)>
#map1 = affine_map<(d0, d1) -> (0)>
module attributes {stable_mosaic.version = 14 : i64} {
  func.func @_router_kernel(%arg0: i32, %arg1: i32, %arg2: memref<144x1024xf32, #tpu.memory_space<hbm>>, %arg3: memref<16xf32, #tpu.memory_space<hbm>>, %arg4: memref<256xf32, #tpu.memory_space<hbm>>, %arg5: memref<256xi32, #tpu.memory_space<hbm>>, %arg6: memref<4x1024xf32, #tpu.memory_space<vmem>>, %arg7: memref<16x1024xf32, #tpu.memory_space<vmem>>, %arg8: memref<16xf32, #tpu.memory_space<vmem>>, %arg9: memref<16xf32, #tpu.memory_space<vmem>>, %arg10: memref<16xi32, #tpu.memory_space<vmem>>) attributes {dimension_semantics = [#tpu.dimension_semantics<core_parallel>, #tpu.dimension_semantics<subcore_parallel>], iteration_bounds = array<i64: 2, 16>, scalar_prefetch = 0 : i64, scratch_operands = 5 : i64, tpu.core_type = #tpu.core_type<sc_vector_subcore>, window_params = [{transform_indices = #map}, {transform_indices = #map1}, {transform_indices = #map1}, {transform_indices = #map1}]} {
    %mul3A = arith.constant 2 : i32
    %mul3A_0 = arith.muli %arg1, %mul3A : i32
    %add3A = arith.addi %mul3A_0, %arg0 : i32
    %mul3A_1 = arith.constant 4 : i32
    %mul3A_2 = arith.muli %add3A, %mul3A_1 : i32
    "tpu.region"() ({
      %run_scoped3A = tpu.sem_alloc : memref<!tpu.dma_semaphore, #tpu.memory_space<semaphore_mem>>
      %dma_start3A = arith.constant 128 : i32
      %dma_start3A_876 = arith.constant 0 : i32
      %dma_start3A_877 = tpu.memref_slice %arg2[%dma_start3A, %dma_start3A_876] : memref<144x1024xf32, #tpu.memory_space<hbm>> -> memref<16x1024xf32, #tpu.memory_space<hbm>>
      %dma_start3A_878 = arith.constant 128 : i32
      %dma_start3A_879 = arith.constant 0 : i32
      %dma_start3A_880 = tpu.memref_slice %arg2[%dma_start3A_878, %dma_start3A_879] : memref<144x1024xf32, #tpu.memory_space<hbm>> -> memref<16x1024xf32, #tpu.memory_space<hbm>>
      tpu.enqueue_dma source(%dma_start3A_880 : memref<16x1024xf32, #tpu.memory_space<hbm>>) target(%arg7 : memref<16x1024xf32, #tpu.memory_space<vmem>>) target_semaphore(%run_scoped3A : memref<!tpu.dma_semaphore, #tpu.memory_space<semaphore_mem>>)
      %dma_wait3A = arith.constant 128 : i32
      %dma_wait3A_881 = arith.constant 0 : i32
      %dma_wait3A_882 = tpu.memref_slice %arg2[%dma_wait3A, %dma_wait3A_881] : memref<144x1024xf32, #tpu.memory_space<hbm>> -> memref<16x1024xf32, #tpu.memory_space<hbm>>
      %dma_wait3A_883 = arith.constant 128 : i32
      %dma_wait3A_884 = arith.constant 0 : i32
      %dma_wait3A_885 = tpu.memref_slice %arg2[%dma_wait3A_883, %dma_wait3A_884] : memref<144x1024xf32, #tpu.memory_space<hbm>> -> memref<16x1024xf32, #tpu.memory_space<hbm>>
      tpu.wait_dma2 semaphore(%run_scoped3A : memref<!tpu.dma_semaphore, #tpu.memory_space<semaphore_mem>>) src(%dma_wait3A_885 : memref<16x1024xf32, #tpu.memory_space<hbm>>) dst(%arg7 : memref<16x1024xf32, #tpu.memory_space<vmem>>)
      tpu.yield
    }) : () -> ()
    "tpu.region"() ({
      %run_scoped3A = tpu.sem_alloc : memref<!tpu.dma_semaphore, #tpu.memory_space<semaphore_mem>>
      tpu.enqueue_dma source(%arg3 : memref<16xf32, #tpu.memory_space<hbm>>) target(%arg8 : memref<16xf32, #tpu.memory_space<vmem>>) target_semaphore(%run_scoped3A : memref<!tpu.dma_semaphore, #tpu.memory_space<semaphore_mem>>)
      tpu.wait_dma2 semaphore(%run_scoped3A : memref<!tpu.dma_semaphore, #tpu.memory_space<semaphore_mem>>) src(%arg3 : memref<16xf32, #tpu.memory_space<hbm>>) dst(%arg8 : memref<16xf32, #tpu.memory_space<vmem>>)
      tpu.yield
    }) : () -> ()
    "tpu.region"() ({
      %run_scoped3A = tpu.sem_alloc : memref<!tpu.dma_semaphore, #tpu.memory_space<semaphore_mem>>
      %dma_start3A = arith.constant 0 : i32
      %dma_start3A_876 = tpu.memref_slice %arg2[%mul3A_2, %dma_start3A] : memref<144x1024xf32, #tpu.memory_space<hbm>> -> memref<4x1024xf32, #tpu.memory_space<hbm>>
      %dma_start3A_877 = arith.constant 0 : i32
      %dma_start3A_878 = tpu.memref_slice %arg2[%mul3A_2, %dma_start3A_877] : memref<144x1024xf32, #tpu.memory_space<hbm>> -> memref<4x1024xf32, #tpu.memory_space<hbm>>
      tpu.enqueue_dma source(%dma_start3A_878 : memref<4x1024xf32, #tpu.memory_space<hbm>>) target(%arg6 : memref<4x1024xf32, #tpu.memory_space<vmem>>) target_semaphore(%run_scoped3A : memref<!tpu.dma_semaphore, #tpu.memory_space<semaphore_mem>>)
      %dma_wait3A = arith.constant 0 : i32
      %dma_wait3A_879 = tpu.memref_slice %arg2[%mul3A_2, %dma_wait3A] : memref<144x1024xf32, #tpu.memory_space<hbm>> -> memref<4x1024xf32, #tpu.memory_space<hbm>>
      %dma_wait3A_880 = arith.constant 0 : i32
      %dma_wait3A_881 = tpu.memref_slice %arg2[%mul3A_2, %dma_wait3A_880] : memref<144x1024xf32, #tpu.memory_space<hbm>> -> memref<4x1024xf32, #tpu.memory_space<hbm>>
      tpu.wait_dma2 semaphore(%run_scoped3A : memref<!tpu.dma_semaphore, #tpu.memory_space<semaphore_mem>>) src(%dma_wait3A_881 : memref<4x1024xf32, #tpu.memory_space<hbm>>) dst(%arg6 : memref<4x1024xf32, #tpu.memory_space<vmem>>)
      tpu.yield
    }) : () -> ()
    %iota3A = tpu.iota {dimensions = array<i32: 0>} : vector<16xi32>
    %get3A = arith.constant 0 : index
    %get3A_3 = tpu.vector_load %arg8[%get3A] {strides = array<i32>} : memref<16xf32, #tpu.memory_space<vmem>>, vector<16xf32>,
    %broadcast_in_dim3A = arith.constant 0.000000e+00 : f32
    %broadcast_in_dim3A_4 = vector.broadcast %broadcast_in_dim3A : f32 to vector<16xf32>
    %scan3A = arith.constant 0 : i32
    %scan3A_5 = arith.constant 64 : i32
    %scan3A_6 = arith.addi %scan3A, %scan3A_5 : i32
    %scan3A_7 = arith.constant 1 : i32
    %scan3A_8:32 = scf.for %scan3A_876 = %scan3A to %scan3A_6 step %scan3A_7 iter_args(%scan3A_877 = %broadcast_in_dim3A_4, %scan3A_878 = %broadcast_in_dim3A_4, %scan3A_879 = %broadcast_in_dim3A_4, %scan3A_880 = %broadcast_in_dim3A_4, %scan3A_881 = %broadcast_in_dim3A_4, %scan3A_882 = %broadcast_in_dim3A_4, %scan3A_883 = %broadcast_in_dim3A_4, %scan3A_884 = %broadcast_in_dim3A_4, %scan3A_885 = %broadcast_in_dim3A_4, %scan3A_886 = %broadcast_in_dim3A_4, %scan3A_887 = %broadcast_in_dim3A_4, %scan3A_888 = %broadcast_in_dim3A_4, %scan3A_889 = %broadcast_in_dim3A_4, %scan3A_890 = %broadcast_in_dim3A_4, %scan3A_891 = %broadcast_in_dim3A_4, %scan3A_892 = %broadcast_in_dim3A_4, %scan3A_893 = %broadcast_in_dim3A_4, %scan3A_894 = %broadcast_in_dim3A_4, %scan3A_895 = %broadcast_in_dim3A_4, %scan3A_896 = %broadcast_in_dim3A_4, %scan3A_897 = %broadcast_in_dim3A_4, %scan3A_898 = %broadcast_in_dim3A_4, %scan3A_899 = %broadcast_in_dim3A_4, %scan3A_900 = %broadcast_in_dim3A_4, %scan3A_901 = %broadcast_in_dim3A_4, %scan3A_902 = %broadcast_in_dim3A_4, %scan3A_903 = %broadcast_in_dim3A_4, %scan3A_904 = %broadcast_in_dim3A_4, %scan3A_905 = %broadcast_in_dim3A_4, %scan3A_906 = %broadcast_in_dim3A_4, %scan3A_907 = %broadcast_in_dim3A_4, %scan3A_908 = %broadcast_in_dim3A_4) -> (vector<16xf32>, vector<16xf32>, vector<16xf32>, vector<16xf32>, vector<16xf32>, vector<16xf32>, vector<16xf32>, vector<16xf32>, vector<16xf32>, vector<16xf32>, vector<16xf32>, vector<16xf32>, vector<16xf32>, vector<16xf32>, vector<16xf32>, vector<16xf32>, vector<16xf32>, vector<16xf32>, vector<16xf32>, vector<16xf32>, vector<16xf32>, vector<16xf32>, vector<16xf32>, vector<16xf32>, vector<16xf32>, vector<16xf32>, vector<16xf32>, vector<16xf32>, vector<16xf32>, vector<16xf32>, vector<16xf32>, vector<16xf32>)  : i32 {
      %mul3A_909 = arith.constant 1 : i32
      %mul3A_910 = arith.muli %scan3A_876, %mul3A_909 : i32
      %add3A_911 = arith.constant 0 : i32
      %add3A_912 = arith.addi %mul3A_910, %add3A_911 : i32
      %mul3A_913 = arith.constant 16 : i32
      %mul3A_914 = arith.muli %add3A_912, %mul3A_913 : i32
      %get3A_915 = arith.constant 0 : i32
      %get3A_916 = arith.index_cast %get3A_915 : i32 to index
      %get3A_917 = arith.index_cast %mul3A_914 : i32 to index
      %get3A_918 = tpu.vector_load %arg6[%get3A_916, %get3A_917] {strides = array<i32>} : memref<4x1024xf32, #tpu.memory_space<vmem>>, vector<16xf32>,
      %get3A_919 = arith.constant 1 : i32
      %get3A_920 = arith.index_cast %get3A_919 : i32 to index
      %get3A_921 = arith.index_cast %mul3A_914 : i32 to index
      %get3A_922 = tpu.vector_load %arg6[%get3A_920, %get3A_921] {strides = array<i32>} : memref<4x1024xf32, #tpu.memory_space<vmem>>, vector<16xf32>,
      %get3A_923 = arith.constant 2 : i32
      %get3A_924 = arith.index_cast %get3A_923 : i32 to index
      %get3A_925 = arith.index_cast %mul3A_914 : i32 to index
      %get3A_926 = tpu.vector_load %arg6[%get3A_924, %get3A_925] {strides = array<i32>} : memref<4x1024xf32, #tpu.memory_space<vmem>>, vector<16xf32>,
      %get3A_927 = arith.constant 3 : i32
      %get3A_928 = arith.index_cast %get3A_927 : i32 to index
      %get3A_929 = arith.index_cast %mul3A_914 : i32 to index
      %get3A_930 = tpu.vector_load %arg6[%get3A_928, %get3A_929] {strides = array<i32>} : memref<4x1024xf32, #tpu.memory_space<vmem>>, vector<16xf32>,
      %get3A_931 = arith.constant 0 : i32
      %get3A_932 = arith.index_cast %get3A_931 : i32 to index
      %get3A_933 = arith.index_cast %mul3A_914 : i32 to index
      %get3A_934 = tpu.vector_load %arg7[%get3A_932, %get3A_933] {strides = array<i32>} : memref<16x1024xf32, #tpu.memory_space<vmem>>, vector<16xf32>,
      %mul3A_935 = arith.mulf %get3A_918, %get3A_934 : vector<16xf32>
      %add3A_936 = arith.addf %scan3A_877, %mul3A_935 : vector<16xf32>
      %mul3A_937 = arith.mulf %get3A_922, %get3A_934 : vector<16xf32>
      %add3A_938 = arith.addf %scan3A_878, %mul3A_937 : vector<16xf32>
      %mul3A_939 = arith.mulf %get3A_926, %get3A_934 : vector<16xf32>
      %add3A_940 = arith.addf %scan3A_879, %mul3A_939 : vector<16xf32>
      %mul3A_941 = arith.mulf %get3A_930, %get3A_934 : vector<16xf32>
      %add3A_942 = arith.addf %scan3A_880, %mul3A_941 : vector<16xf32>
      %get3A_943 = arith.constant 1 : i32
      %get3A_944 = arith.index_cast %get3A_943 : i32 to index
      %get3A_945 = arith.index_cast %mul3A_914 : i32 to index
      %get3A_946 = tpu.vector_load %arg7[%get3A_944, %get3A_945] {strides = array<i32>} : memref<16x1024xf32, #tpu.memory_space<vmem>>, vector<16xf32>,
      %mul3A_947 = arith.mulf %get3A_918, %get3A_946 : vector<16xf32>
      %add3A_948 = arith.addf %scan3A_881, %mul3A_947 : vector<16xf32>
      %mul3A_949 = arith.mulf %get3A_922, %get3A_946 : vector<16xf32>
      %add3A_950 = arith.addf %scan3A_882, %mul3A_949 : vector<16xf32>
      %mul3A_951 = arith.mulf %get3A_926, %get3A_946 : vector<16xf32>
      %add3A_952 = arith.addf %scan3A_883, %mul3A_951 : vector<16xf32>
      %mul3A_953 = arith.mulf %get3A_930, %get3A_946 : vector<16xf32>
      %add3A_954 = arith.addf %scan3A_884, %mul3A_953 : vector<16xf32>
      %get3A_955 = arith.constant 2 : i32
      %get3A_956 = arith.index_cast %get3A_955 : i32 to index
      %get3A_957 = arith.index_cast %mul3A_914 : i32 to index
      %get3A_958 = tpu.vector_load %arg7[%get3A_956, %get3A_957] {strides = array<i32>} : memref<16x1024xf32, #tpu.memory_space<vmem>>, vector<16xf32>,
      %mul3A_959 = arith.mulf %get3A_918, %get3A_958 : vector<16xf32>
      %add3A_960 = arith.addf %scan3A_885, %mul3A_959 : vector<16xf32>
      %mul3A_961 = arith.mulf %get3A_922, %get3A_958 : vector<16xf32>
      %add3A_962 = arith.addf %scan3A_886, %mul3A_961 : vector<16xf32>
      %mul3A_963 = arith.mulf %get3A_926, %get3A_958 : vector<16xf32>
      %add3A_964 = arith.addf %scan3A_887, %mul3A_963 : vector<16xf32>
      %mul3A_965 = arith.mulf %get3A_930, %get3A_958 : vector<16xf32>
      %add3A_966 = arith.addf %scan3A_888, %mul3A_965 : vector<16xf32>
      %get3A_967 = arith.constant 3 : i32
      %get3A_968 = arith.index_cast %get3A_967 : i32 to index
      %get3A_969 = arith.index_cast %mul3A_914 : i32 to index
      %get3A_970 = tpu.vector_load %arg7[%get3A_968, %get3A_969] {strides = array<i32>} : memref<16x1024xf32, #tpu.memory_space<vmem>>, vector<16xf32>,
      %mul3A_971 = arith.mulf %get3A_918, %get3A_970 : vector<16xf32>
      %add3A_972 = arith.addf %scan3A_889, %mul3A_971 : vector<16xf32>
      %mul3A_973 = arith.mulf %get3A_922, %get3A_970 : vector<16xf32>
      %add3A_974 = arith.addf %scan3A_890, %mul3A_973 : vector<16xf32>
      %mul3A_975 = arith.mulf %get3A_926, %get3A_970 : vector<16xf32>
      %add3A_976 = arith.addf %scan3A_891, %mul3A_975 : vector<16xf32>
      %mul3A_977 = arith.mulf %get3A_930, %get3A_970 : vector<16xf32>
      %add3A_978 = arith.addf %scan3A_892, %mul3A_977 : vector<16xf32>
      %get3A_979 = arith.constant 4 : i32
      %get3A_980 = arith.index_cast %get3A_979 : i32 to index
      %get3A_981 = arith.index_cast %mul3A_914 : i32 to index
      %get3A_982 = tpu.vector_load %arg7[%get3A_980, %get3A_981] {strides = array<i32>} : memref<16x1024xf32, #tpu.memory_space<vmem>>, vector<16xf32>,
      %mul3A_983 = arith.mulf %get3A_918, %get3A_982 : vector<16xf32>
      %add3A_984 = arith.addf %scan3A_893, %mul3A_983 : vector<16xf32>
      %mul3A_985 = arith.mulf %get3A_922, %get3A_982 : vector<16xf32>
      %add3A_986 = arith.addf %scan3A_894, %mul3A_985 : vector<16xf32>
      %mul3A_987 = arith.mulf %get3A_926, %get3A_982 : vector<16xf32>
      %add3A_988 = arith.addf %scan3A_895, %mul3A_987 : vector<16xf32>
      %mul3A_989 = arith.mulf %get3A_930, %get3A_982 : vector<16xf32>
      %add3A_990 = arith.addf %scan3A_896, %mul3A_989 : vector<16xf32>
      %get3A_991 = arith.constant 5 : i32
      %get3A_992 = arith.index_cast %get3A_991 : i32 to index
      %get3A_993 = arith.index_cast %mul3A_914 : i32 to index
      %get3A_994 = tpu.vector_load %arg7[%get3A_992, %get3A_993] {strides = array<i32>} : memref<16x1024xf32, #tpu.memory_space<vmem>>, vector<16xf32>,
      %mul3A_995 = arith.mulf %get3A_918, %get3A_994 : vector<16xf32>
      %add3A_996 = arith.addf %scan3A_897, %mul3A_995 : vector<16xf32>
      %mul3A_997 = arith.mulf %get3A_922, %get3A_994 : vector<16xf32>
      %add3A_998 = arith.addf %scan3A_898, %mul3A_997 : vector<16xf32>
      %mul3A_999 = arith.mulf %get3A_926, %get3A_994 : vector<16xf32>
      %add3A_1000 = arith.addf %scan3A_899, %mul3A_999 : vector<16xf32>
      %mul3A_1001 = arith.mulf %get3A_930, %get3A_994 : vector<16xf32>
      %add3A_1002 = arith.addf %scan3A_900, %mul3A_1001 : vector<16xf32>
      %get3A_1003 = arith.constant 6 : i32
      %get3A_1004 = arith.index_cast %get3A_1003 : i32 to index
      %get3A_1005 = arith.index_cast %mul3A_914 : i32 to index
      %get3A_1006 = tpu.vector_load %arg7[%get3A_1004, %get3A_1005] {strides = array<i32>} : memref<16x1024xf32, #tpu.memory_space<vmem>>, vector<16xf32>,
      %mul3A_1007 = arith.mulf %get3A_918, %get3A_1006 : vector<16xf32>
      %add3A_1008 = arith.addf %scan3A_901, %mul3A_1007 : vector<16xf32>
      %mul3A_1009 = arith.mulf %get3A_922, %get3A_1006 : vector<16xf32>
      %add3A_1010 = arith.addf %scan3A_902, %mul3A_1009 : vector<16xf32>
      %mul3A_1011 = arith.mulf %get3A_926, %get3A_1006 : vector<16xf32>
      %add3A_1012 = arith.addf %scan3A_903, %mul3A_1011 : vector<16xf32>
      %mul3A_1013 = arith.mulf %get3A_930, %get3A_1006 : vector<16xf32>
      %add3A_1014 = arith.addf %scan3A_904, %mul3A_1013 : vector<16xf32>
      %get3A_1015 = arith.constant 7 : i32
      %get3A_1016 = arith.index_cast %get3A_1015 : i32 to index
      %get3A_1017 = arith.index_cast %mul3A_914 : i32 to index
      %get3A_1018 = tpu.vector_load %arg7[%get3A_1016, %get3A_1017] {strides = array<i32>} : memref<16x1024xf32, #tpu.memory_space<vmem>>, vector<16xf32>,
      %mul3A_1019 = arith.mulf %get3A_918, %get3A_1018 : vector<16xf32>
      %add3A_1020 = arith.addf %scan3A_905, %mul3A_1019 : vector<16xf32>
      %mul3A_1021 = arith.mulf %get3A_922, %get3A_1018 : vector<16xf32>
      %add3A_1022 = arith.addf %scan3A_906, %mul3A_1021 : vector<16xf32>
      %mul3A_1023 = arith.mulf %get3A_926, %get3A_1018 : vector<16xf32>
      %add3A_1024 = arith.addf %scan3A_907, %mul3A_1023 : vector<16xf32>
      %mul3A_1025 = arith.mulf %get3A_930, %get3A_1018 : vector<16xf32>
      %add3A_1026 = arith.addf %scan3A_908, %mul3A_1025 : vector<16xf32>
      scf.yield %add3A_936, %add3A_938, %add3A_940, %add3A_942, %add3A_948, %add3A_950, %add3A_952, %add3A_954, %add3A_960, %add3A_962, %add3A_964, %add3A_966, %add3A_972, %add3A_974, %add3A_976, %add3A_978, %add3A_984, %add3A_986, %add3A_988, %add3A_990, %add3A_996, %add3A_998, %add3A_1000, %add3A_1002, %add3A_1008, %add3A_1010, %add3A_1012, %add3A_1014, %add3A_1020, %add3A_1022, %add3A_1024, %add3A_1026 : vector<16xf32>, vector<16xf32>, vector<16xf32>, vector<16xf32>, vector<16xf32>, vector<16xf32>, vector<16xf32>, vector<16xf32>, vector<16xf32>, vector<16xf32>, vector<16xf32>, vector<16xf32>, vector<16xf32>, vector<16xf32>, vector<16xf32>, vector<16xf32>, vector<16xf32>, vector<16xf32>, vector<16xf32>, vector<16xf32>, vector<16xf32>, vector<16xf32>, vector<16xf32>, vector<16xf32>, vector<16xf32>, vector<16xf32>, vector<16xf32>, vector<16xf32>, vector<16xf32>, vector<16xf32>, vector<16xf32>, vector<16xf32>
    }
    %scan3A_9 = arith.constant 64 : i32
    %reduce_sum3A = arith.constant true
    %reduce_sum3A_10 = vector.broadcast %reduce_sum3A : i1 to vector<16xi1>
    %reduce_sum3A_11 = tpu.scan <sum>, %scan3A_8#0 masked %reduce_sum3A_10 : vector<16xf32>, vector<16xi1> -> vector<16xf32>
    %reduce_sum3A_12 = vector.extract %reduce_sum3A_11[15] : f32 from vector<16xf32>
    %eq3A = arith.constant 0 : i32
    %eq3A_13 = vector.broadcast %eq3A : i32 to vector<16xi32>
    %eq3A_14 = arith.cmpi eq, %iota3A, %eq3A_13 : vector<16xi32>
    %broadcast_in_dim3A_15 = vector.broadcast %reduce_sum3A_12 : f32 to vector<16xf32>
    %select_n3A = arith.select %eq3A_14, %broadcast_in_dim3A_15, %broadcast_in_dim3A_4 : vector<16xi1>, vector<16xf32>
    %reduce_sum3A_16 = arith.constant true
    %reduce_sum3A_17 = vector.broadcast %reduce_sum3A_16 : i1 to vector<16xi1>
    %reduce_sum3A_18 = tpu.scan <sum>, %scan3A_8#1 masked %reduce_sum3A_17 : vector<16xf32>, vector<16xi1> -> vector<16xf32>
    %reduce_sum3A_19 = vector.extract %reduce_sum3A_18[15] : f32 from vector<16xf32>
    %eq3A_20 = arith.constant 0 : i32
    %eq3A_21 = vector.broadcast %eq3A_20 : i32 to vector<16xi32>
    %eq3A_22 = arith.cmpi eq, %iota3A, %eq3A_21 : vector<16xi32>
    %broadcast_in_dim3A_23 = vector.broadcast %reduce_sum3A_19 : f32 to vector<16xf32>
    %select_n3A_24 = arith.select %eq3A_22, %broadcast_in_dim3A_23, %broadcast_in_dim3A_4 : vector<16xi1>, vector<16xf32>
    %reduce_sum3A_25 = arith.constant true
    %reduce_sum3A_26 = vector.broadcast %reduce_sum3A_25 : i1 to vector<16xi1>
    %reduce_sum3A_27 = tpu.scan <sum>, %scan3A_8#2 masked %reduce_sum3A_26 : vector<16xf32>, vector<16xi1> -> vector<16xf32>
    %reduce_sum3A_28 = vector.extract %reduce_sum3A_27[15] : f32 from vector<16xf32>
    %eq3A_29 = arith.constant 0 : i32
    %eq3A_30 = vector.broadcast %eq3A_29 : i32 to vector<16xi32>
    %eq3A_31 = arith.cmpi eq, %iota3A, %eq3A_30 : vector<16xi32>
    %broadcast_in_dim3A_32 = vector.broadcast %reduce_sum3A_28 : f32 to vector<16xf32>
    %select_n3A_33 = arith.select %eq3A_31, %broadcast_in_dim3A_32, %broadcast_in_dim3A_4 : vector<16xi1>, vector<16xf32>
    %reduce_sum3A_34 = arith.constant true
    %reduce_sum3A_35 = vector.broadcast %reduce_sum3A_34 : i1 to vector<16xi1>
    %reduce_sum3A_36 = tpu.scan <sum>, %scan3A_8#3 masked %reduce_sum3A_35 : vector<16xf32>, vector<16xi1> -> vector<16xf32>
    %reduce_sum3A_37 = vector.extract %reduce_sum3A_36[15] : f32 from vector<16xf32>
    %eq3A_38 = arith.constant 0 : i32
    %eq3A_39 = vector.broadcast %eq3A_38 : i32 to vector<16xi32>
    %eq3A_40 = arith.cmpi eq, %iota3A, %eq3A_39 : vector<16xi32>
    %broadcast_in_dim3A_41 = vector.broadcast %reduce_sum3A_37 : f32 to vector<16xf32>
    %select_n3A_42 = arith.select %eq3A_40, %broadcast_in_dim3A_41, %broadcast_in_dim3A_4 : vector<16xi1>, vector<16xf32>
    %reduce_sum3A_43 = arith.constant true
    %reduce_sum3A_44 = vector.broadcast %reduce_sum3A_43 : i1 to vector<16xi1>
    %reduce_sum3A_45 = tpu.scan <sum>, %scan3A_8#4 masked %reduce_sum3A_44 : vector<16xf32>, vector<16xi1> -> vector<16xf32>
    %reduce_sum3A_46 = vector.extract %reduce_sum3A_45[15] : f32 from vector<16xf32>
    %eq3A_47 = arith.constant 1 : i32
    %eq3A_48 = vector.broadcast %eq3A_47 : i32 to vector<16xi32>
    %eq3A_49 = arith.cmpi eq, %iota3A, %eq3A_48 : vector<16xi32>
    %broadcast_in_dim3A_50 = vector.broadcast %reduce_sum3A_46 : f32 to vector<16xf32>
    %select_n3A_51 = arith.select %eq3A_49, %broadcast_in_dim3A_50, %select_n3A : vector<16xi1>, vector<16xf32>
    %reduce_sum3A_52 = arith.constant true
    %reduce_sum3A_53 = vector.broadcast %reduce_sum3A_52 : i1 to vector<16xi1>
    %reduce_sum3A_54 = tpu.scan <sum>, %scan3A_8#5 masked %reduce_sum3A_53 : vector<16xf32>, vector<16xi1> -> vector<16xf32>
    %reduce_sum3A_55 = vector.extract %reduce_sum3A_54[15] : f32 from vector<16xf32>
    %eq3A_56 = arith.constant 1 : i32
    %eq3A_57 = vector.broadcast %eq3A_56 : i32 to vector<16xi32>
    %eq3A_58 = arith.cmpi eq, %iota3A, %eq3A_57 : vector<16xi32>
    %broadcast_in_dim3A_59 = vector.broadcast %reduce_sum3A_55 : f32 to vector<16xf32>
    %select_n3A_60 = arith.select %eq3A_58, %broadcast_in_dim3A_59, %select_n3A_24 : vector<16xi1>, vector<16xf32>
    %reduce_sum3A_61 = arith.constant true
    %reduce_sum3A_62 = vector.broadcast %reduce_sum3A_61 : i1 to vector<16xi1>
    %reduce_sum3A_63 = tpu.scan <sum>, %scan3A_8#6 masked %reduce_sum3A_62 : vector<16xf32>, vector<16xi1> -> vector<16xf32>
    %reduce_sum3A_64 = vector.extract %reduce_sum3A_63[15] : f32 from vector<16xf32>
    %eq3A_65 = arith.constant 1 : i32
    %eq3A_66 = vector.broadcast %eq3A_65 : i32 to vector<16xi32>
    %eq3A_67 = arith.cmpi eq, %iota3A, %eq3A_66 : vector<16xi32>
    %broadcast_in_dim3A_68 = vector.broadcast %reduce_sum3A_64 : f32 to vector<16xf32>
    %select_n3A_69 = arith.select %eq3A_67, %broadcast_in_dim3A_68, %select_n3A_33 : vector<16xi1>, vector<16xf32>
    %reduce_sum3A_70 = arith.constant true
    %reduce_sum3A_71 = vector.broadcast %reduce_sum3A_70 : i1 to vector<16xi1>
    %reduce_sum3A_72 = tpu.scan <sum>, %scan3A_8#7 masked %reduce_sum3A_71 : vector<16xf32>, vector<16xi1> -> vector<16xf32>
    %reduce_sum3A_73 = vector.extract %reduce_sum3A_72[15] : f32 from vector<16xf32>
    %eq3A_74 = arith.constant 1 : i32
    %eq3A_75 = vector.broadcast %eq3A_74 : i32 to vector<16xi32>
    %eq3A_76 = arith.cmpi eq, %iota3A, %eq3A_75 : vector<16xi32>
    %broadcast_in_dim3A_77 = vector.broadcast %reduce_sum3A_73 : f32 to vector<16xf32>
    %select_n3A_78 = arith.select %eq3A_76, %broadcast_in_dim3A_77, %select_n3A_42 : vector<16xi1>, vector<16xf32>
    %reduce_sum3A_79 = arith.constant true
    %reduce_sum3A_80 = vector.broadcast %reduce_sum3A_79 : i1 to vector<16xi1>
    %reduce_sum3A_81 = tpu.scan <sum>, %scan3A_8#8 masked %reduce_sum3A_80 : vector<16xf32>, vector<16xi1> -> vector<16xf32>
    %reduce_sum3A_82 = vector.extract %reduce_sum3A_81[15] : f32 from vector<16xf32>
    %eq3A_83 = arith.constant 2 : i32
    %eq3A_84 = vector.broadcast %eq3A_83 : i32 to vector<16xi32>
    %eq3A_85 = arith.cmpi eq, %iota3A, %eq3A_84 : vector<16xi32>
    %broadcast_in_dim3A_86 = vector.broadcast %reduce_sum3A_82 : f32 to vector<16xf32>
    %select_n3A_87 = arith.select %eq3A_85, %broadcast_in_dim3A_86, %select_n3A_51 : vector<16xi1>, vector<16xf32>
    %reduce_sum3A_88 = arith.constant true
    %reduce_sum3A_89 = vector.broadcast %reduce_sum3A_88 : i1 to vector<16xi1>
    %reduce_sum3A_90 = tpu.scan <sum>, %scan3A_8#9 masked %reduce_sum3A_89 : vector<16xf32>, vector<16xi1> -> vector<16xf32>
    %reduce_sum3A_91 = vector.extract %reduce_sum3A_90[15] : f32 from vector<16xf32>
    %eq3A_92 = arith.constant 2 : i32
    %eq3A_93 = vector.broadcast %eq3A_92 : i32 to vector<16xi32>
    %eq3A_94 = arith.cmpi eq, %iota3A, %eq3A_93 : vector<16xi32>
    %broadcast_in_dim3A_95 = vector.broadcast %reduce_sum3A_91 : f32 to vector<16xf32>
    %select_n3A_96 = arith.select %eq3A_94, %broadcast_in_dim3A_95, %select_n3A_60 : vector<16xi1>, vector<16xf32>
    %reduce_sum3A_97 = arith.constant true
    %reduce_sum3A_98 = vector.broadcast %reduce_sum3A_97 : i1 to vector<16xi1>
    %reduce_sum3A_99 = tpu.scan <sum>, %scan3A_8#10 masked %reduce_sum3A_98 : vector<16xf32>, vector<16xi1> -> vector<16xf32>
    %reduce_sum3A_100 = vector.extract %reduce_sum3A_99[15] : f32 from vector<16xf32>
    %eq3A_101 = arith.constant 2 : i32
    %eq3A_102 = vector.broadcast %eq3A_101 : i32 to vector<16xi32>
    %eq3A_103 = arith.cmpi eq, %iota3A, %eq3A_102 : vector<16xi32>
    %broadcast_in_dim3A_104 = vector.broadcast %reduce_sum3A_100 : f32 to vector<16xf32>
    %select_n3A_105 = arith.select %eq3A_103, %broadcast_in_dim3A_104, %select_n3A_69 : vector<16xi1>, vector<16xf32>
    %reduce_sum3A_106 = arith.constant true
    %reduce_sum3A_107 = vector.broadcast %reduce_sum3A_106 : i1 to vector<16xi1>
    %reduce_sum3A_108 = tpu.scan <sum>, %scan3A_8#11 masked %reduce_sum3A_107 : vector<16xf32>, vector<16xi1> -> vector<16xf32>
    %reduce_sum3A_109 = vector.extract %reduce_sum3A_108[15] : f32 from vector<16xf32>
    %eq3A_110 = arith.constant 2 : i32
    %eq3A_111 = vector.broadcast %eq3A_110 : i32 to vector<16xi32>
    %eq3A_112 = arith.cmpi eq, %iota3A, %eq3A_111 : vector<16xi32>
    %broadcast_in_dim3A_113 = vector.broadcast %reduce_sum3A_109 : f32 to vector<16xf32>
    %select_n3A_114 = arith.select %eq3A_112, %broadcast_in_dim3A_113, %select_n3A_78 : vector<16xi1>, vector<16xf32>
    %reduce_sum3A_115 = arith.constant true
    %reduce_sum3A_116 = vector.broadcast %reduce_sum3A_115 : i1 to vector<16xi1>
    %reduce_sum3A_117 = tpu.scan <sum>, %scan3A_8#12 masked %reduce_sum3A_116 : vector<16xf32>, vector<16xi1> -> vector<16xf32>
    %reduce_sum3A_118 = vector.extract %reduce_sum3A_117[15] : f32 from vector<16xf32>
    %eq3A_119 = arith.constant 3 : i32
    %eq3A_120 = vector.broadcast %eq3A_119 : i32 to vector<16xi32>
    %eq3A_121 = arith.cmpi eq, %iota3A, %eq3A_120 : vector<16xi32>
    %broadcast_in_dim3A_122 = vector.broadcast %reduce_sum3A_118 : f32 to vector<16xf32>
    %select_n3A_123 = arith.select %eq3A_121, %broadcast_in_dim3A_122, %select_n3A_87 : vector<16xi1>, vector<16xf32>
    %reduce_sum3A_124 = arith.constant true
    %reduce_sum3A_125 = vector.broadcast %reduce_sum3A_124 : i1 to vector<16xi1>
    %reduce_sum3A_126 = tpu.scan <sum>, %scan3A_8#13 masked %reduce_sum3A_125 : vector<16xf32>, vector<16xi1> -> vector<16xf32>
    %reduce_sum3A_127 = vector.extract %reduce_sum3A_126[15] : f32 from vector<16xf32>
    %eq3A_128 = arith.constant 3 : i32
    %eq3A_129 = vector.broadcast %eq3A_128 : i32 to vector<16xi32>
    %eq3A_130 = arith.cmpi eq, %iota3A, %eq3A_129 : vector<16xi32>
    %broadcast_in_dim3A_131 = vector.broadcast %reduce_sum3A_127 : f32 to vector<16xf32>
    %select_n3A_132 = arith.select %eq3A_130, %broadcast_in_dim3A_131, %select_n3A_96 : vector<16xi1>, vector<16xf32>
    %reduce_sum3A_133 = arith.constant true
    %reduce_sum3A_134 = vector.broadcast %reduce_sum3A_133 : i1 to vector<16xi1>
    %reduce_sum3A_135 = tpu.scan <sum>, %scan3A_8#14 masked %reduce_sum3A_134 : vector<16xf32>, vector<16xi1> -> vector<16xf32>
    %reduce_sum3A_136 = vector.extract %reduce_sum3A_135[15] : f32 from vector<16xf32>
    %eq3A_137 = arith.constant 3 : i32
    %eq3A_138 = vector.broadcast %eq3A_137 : i32 to vector<16xi32>
    %eq3A_139 = arith.cmpi eq, %iota3A, %eq3A_138 : vector<16xi32>
    %broadcast_in_dim3A_140 = vector.broadcast %reduce_sum3A_136 : f32 to vector<16xf32>
    %select_n3A_141 = arith.select %eq3A_139, %broadcast_in_dim3A_140, %select_n3A_105 : vector<16xi1>, vector<16xf32>
    %reduce_sum3A_142 = arith.constant true
    %reduce_sum3A_143 = vector.broadcast %reduce_sum3A_142 : i1 to vector<16xi1>
    %reduce_sum3A_144 = tpu.scan <sum>, %scan3A_8#15 masked %reduce_sum3A_143 : vector<16xf32>, vector<16xi1> -> vector<16xf32>
    %reduce_sum3A_145 = vector.extract %reduce_sum3A_144[15] : f32 from vector<16xf32>
    %eq3A_146 = arith.constant 3 : i32
    %eq3A_147 = vector.broadcast %eq3A_146 : i32 to vector<16xi32>
    %eq3A_148 = arith.cmpi eq, %iota3A, %eq3A_147 : vector<16xi32>
    %broadcast_in_dim3A_149 = vector.broadcast %reduce_sum3A_145 : f32 to vector<16xf32>
    %select_n3A_150 = arith.select %eq3A_148, %broadcast_in_dim3A_149, %select_n3A_114 : vector<16xi1>, vector<16xf32>
    %reduce_sum3A_151 = arith.constant true
    %reduce_sum3A_152 = vector.broadcast %reduce_sum3A_151 : i1 to vector<16xi1>
    %reduce_sum3A_153 = tpu.scan <sum>, %scan3A_8#16 masked %reduce_sum3A_152 : vector<16xf32>, vector<16xi1> -> vector<16xf32>
    %reduce_sum3A_154 = vector.extract %reduce_sum3A_153[15] : f32 from vector<16xf32>
    %eq3A_155 = arith.constant 4 : i32
    %eq3A_156 = vector.broadcast %eq3A_155 : i32 to vector<16xi32>
    %eq3A_157 = arith.cmpi eq, %iota3A, %eq3A_156 : vector<16xi32>
    %broadcast_in_dim3A_158 = vector.broadcast %reduce_sum3A_154 : f32 to vector<16xf32>
    %select_n3A_159 = arith.select %eq3A_157, %broadcast_in_dim3A_158, %select_n3A_123 : vector<16xi1>, vector<16xf32>
    %reduce_sum3A_160 = arith.constant true
    %reduce_sum3A_161 = vector.broadcast %reduce_sum3A_160 : i1 to vector<16xi1>
    %reduce_sum3A_162 = tpu.scan <sum>, %scan3A_8#17 masked %reduce_sum3A_161 : vector<16xf32>, vector<16xi1> -> vector<16xf32>
    %reduce_sum3A_163 = vector.extract %reduce_sum3A_162[15] : f32 from vector<16xf32>
    %eq3A_164 = arith.constant 4 : i32
    %eq3A_165 = vector.broadcast %eq3A_164 : i32 to vector<16xi32>
    %eq3A_166 = arith.cmpi eq, %iota3A, %eq3A_165 : vector<16xi32>
    %broadcast_in_dim3A_167 = vector.broadcast %reduce_sum3A_163 : f32 to vector<16xf32>
    %select_n3A_168 = arith.select %eq3A_166, %broadcast_in_dim3A_167, %select_n3A_132 : vector<16xi1>, vector<16xf32>
    %reduce_sum3A_169 = arith.constant true
    %reduce_sum3A_170 = vector.broadcast %reduce_sum3A_169 : i1 to vector<16xi1>
    %reduce_sum3A_171 = tpu.scan <sum>, %scan3A_8#18 masked %reduce_sum3A_170 : vector<16xf32>, vector<16xi1> -> vector<16xf32>
    %reduce_sum3A_172 = vector.extract %reduce_sum3A_171[15] : f32 from vector<16xf32>
    %eq3A_173 = arith.constant 4 : i32
    %eq3A_174 = vector.broadcast %eq3A_173 : i32 to vector<16xi32>
    %eq3A_175 = arith.cmpi eq, %iota3A, %eq3A_174 : vector<16xi32>
    %broadcast_in_dim3A_176 = vector.broadcast %reduce_sum3A_172 : f32 to vector<16xf32>
    %select_n3A_177 = arith.select %eq3A_175, %broadcast_in_dim3A_176, %select_n3A_141 : vector<16xi1>, vector<16xf32>
    %reduce_sum3A_178 = arith.constant true
    %reduce_sum3A_179 = vector.broadcast %reduce_sum3A_178 : i1 to vector<16xi1>
    %reduce_sum3A_180 = tpu.scan <sum>, %scan3A_8#19 masked %reduce_sum3A_179 : vector<16xf32>, vector<16xi1> -> vector<16xf32>
    %reduce_sum3A_181 = vector.extract %reduce_sum3A_180[15] : f32 from vector<16xf32>
    %eq3A_182 = arith.constant 4 : i32
    %eq3A_183 = vector.broadcast %eq3A_182 : i32 to vector<16xi32>
    %eq3A_184 = arith.cmpi eq, %iota3A, %eq3A_183 : vector<16xi32>
    %broadcast_in_dim3A_185 = vector.broadcast %reduce_sum3A_181 : f32 to vector<16xf32>
    %select_n3A_186 = arith.select %eq3A_184, %broadcast_in_dim3A_185, %select_n3A_150 : vector<16xi1>, vector<16xf32>
    %reduce_sum3A_187 = arith.constant true
    %reduce_sum3A_188 = vector.broadcast %reduce_sum3A_187 : i1 to vector<16xi1>
    %reduce_sum3A_189 = tpu.scan <sum>, %scan3A_8#20 masked %reduce_sum3A_188 : vector<16xf32>, vector<16xi1> -> vector<16xf32>
    %reduce_sum3A_190 = vector.extract %reduce_sum3A_189[15] : f32 from vector<16xf32>
    %eq3A_191 = arith.constant 5 : i32
    %eq3A_192 = vector.broadcast %eq3A_191 : i32 to vector<16xi32>
    %eq3A_193 = arith.cmpi eq, %iota3A, %eq3A_192 : vector<16xi32>
    %broadcast_in_dim3A_194 = vector.broadcast %reduce_sum3A_190 : f32 to vector<16xf32>
    %select_n3A_195 = arith.select %eq3A_193, %broadcast_in_dim3A_194, %select_n3A_159 : vector<16xi1>, vector<16xf32>
    %reduce_sum3A_196 = arith.constant true
    %reduce_sum3A_197 = vector.broadcast %reduce_sum3A_196 : i1 to vector<16xi1>
    %reduce_sum3A_198 = tpu.scan <sum>, %scan3A_8#21 masked %reduce_sum3A_197 : vector<16xf32>, vector<16xi1> -> vector<16xf32>
    %reduce_sum3A_199 = vector.extract %reduce_sum3A_198[15] : f32 from vector<16xf32>
    %eq3A_200 = arith.constant 5 : i32
    %eq3A_201 = vector.broadcast %eq3A_200 : i32 to vector<16xi32>
    %eq3A_202 = arith.cmpi eq, %iota3A, %eq3A_201 : vector<16xi32>
    %broadcast_in_dim3A_203 = vector.broadcast %reduce_sum3A_199 : f32 to vector<16xf32>
    %select_n3A_204 = arith.select %eq3A_202, %broadcast_in_dim3A_203, %select_n3A_168 : vector<16xi1>, vector<16xf32>
    %reduce_sum3A_205 = arith.constant true
    %reduce_sum3A_206 = vector.broadcast %reduce_sum3A_205 : i1 to vector<16xi1>
    %reduce_sum3A_207 = tpu.scan <sum>, %scan3A_8#22 masked %reduce_sum3A_206 : vector<16xf32>, vector<16xi1> -> vector<16xf32>
    %reduce_sum3A_208 = vector.extract %reduce_sum3A_207[15] : f32 from vector<16xf32>
    %eq3A_209 = arith.constant 5 : i32
    %eq3A_210 = vector.broadcast %eq3A_209 : i32 to vector<16xi32>
    %eq3A_211 = arith.cmpi eq, %iota3A, %eq3A_210 : vector<16xi32>
    %broadcast_in_dim3A_212 = vector.broadcast %reduce_sum3A_208 : f32 to vector<16xf32>
    %select_n3A_213 = arith.select %eq3A_211, %broadcast_in_dim3A_212, %select_n3A_177 : vector<16xi1>, vector<16xf32>
    %reduce_sum3A_214 = arith.constant true
    %reduce_sum3A_215 = vector.broadcast %reduce_sum3A_214 : i1 to vector<16xi1>
    %reduce_sum3A_216 = tpu.scan <sum>, %scan3A_8#23 masked %reduce_sum3A_215 : vector<16xf32>, vector<16xi1> -> vector<16xf32>
    %reduce_sum3A_217 = vector.extract %reduce_sum3A_216[15] : f32 from vector<16xf32>
    %eq3A_218 = arith.constant 5 : i32
    %eq3A_219 = vector.broadcast %eq3A_218 : i32 to vector<16xi32>
    %eq3A_220 = arith.cmpi eq, %iota3A, %eq3A_219 : vector<16xi32>
    %broadcast_in_dim3A_221 = vector.broadcast %reduce_sum3A_217 : f32 to vector<16xf32>
    %select_n3A_222 = arith.select %eq3A_220, %broadcast_in_dim3A_221, %select_n3A_186 : vector<16xi1>, vector<16xf32>
    %reduce_sum3A_223 = arith.constant true
    %reduce_sum3A_224 = vector.broadcast %reduce_sum3A_223 : i1 to vector<16xi1>
    %reduce_sum3A_225 = tpu.scan <sum>, %scan3A_8#24 masked %reduce_sum3A_224 : vector<16xf32>, vector<16xi1> -> vector<16xf32>
    %reduce_sum3A_226 = vector.extract %reduce_sum3A_225[15] : f32 from vector<16xf32>
    %eq3A_227 = arith.constant 6 : i32
    %eq3A_228 = vector.broadcast %eq3A_227 : i32 to vector<16xi32>
    %eq3A_229 = arith.cmpi eq, %iota3A, %eq3A_228 : vector<16xi32>
    %broadcast_in_dim3A_230 = vector.broadcast %reduce_sum3A_226 : f32 to vector<16xf32>
    %select_n3A_231 = arith.select %eq3A_229, %broadcast_in_dim3A_230, %select_n3A_195 : vector<16xi1>, vector<16xf32>
    %reduce_sum3A_232 = arith.constant true
    %reduce_sum3A_233 = vector.broadcast %reduce_sum3A_232 : i1 to vector<16xi1>
    %reduce_sum3A_234 = tpu.scan <sum>, %scan3A_8#25 masked %reduce_sum3A_233 : vector<16xf32>, vector<16xi1> -> vector<16xf32>
    %reduce_sum3A_235 = vector.extract %reduce_sum3A_234[15] : f32 from vector<16xf32>
    %eq3A_236 = arith.constant 6 : i32
    %eq3A_237 = vector.broadcast %eq3A_236 : i32 to vector<16xi32>
    %eq3A_238 = arith.cmpi eq, %iota3A, %eq3A_237 : vector<16xi32>
    %broadcast_in_dim3A_239 = vector.broadcast %reduce_sum3A_235 : f32 to vector<16xf32>
    %select_n3A_240 = arith.select %eq3A_238, %broadcast_in_dim3A_239, %select_n3A_204 : vector<16xi1>, vector<16xf32>
    %reduce_sum3A_241 = arith.constant true
    %reduce_sum3A_242 = vector.broadcast %reduce_sum3A_241 : i1 to vector<16xi1>
    %reduce_sum3A_243 = tpu.scan <sum>, %scan3A_8#26 masked %reduce_sum3A_242 : vector<16xf32>, vector<16xi1> -> vector<16xf32>
    %reduce_sum3A_244 = vector.extract %reduce_sum3A_243[15] : f32 from vector<16xf32>
    %eq3A_245 = arith.constant 6 : i32
    %eq3A_246 = vector.broadcast %eq3A_245 : i32 to vector<16xi32>
    %eq3A_247 = arith.cmpi eq, %iota3A, %eq3A_246 : vector<16xi32>
    %broadcast_in_dim3A_248 = vector.broadcast %reduce_sum3A_244 : f32 to vector<16xf32>
    %select_n3A_249 = arith.select %eq3A_247, %broadcast_in_dim3A_248, %select_n3A_213 : vector<16xi1>, vector<16xf32>
    %reduce_sum3A_250 = arith.constant true
    %reduce_sum3A_251 = vector.broadcast %reduce_sum3A_250 : i1 to vector<16xi1>
    %reduce_sum3A_252 = tpu.scan <sum>, %scan3A_8#27 masked %reduce_sum3A_251 : vector<16xf32>, vector<16xi1> -> vector<16xf32>
    %reduce_sum3A_253 = vector.extract %reduce_sum3A_252[15] : f32 from vector<16xf32>
    %eq3A_254 = arith.constant 6 : i32
    %eq3A_255 = vector.broadcast %eq3A_254 : i32 to vector<16xi32>
    %eq3A_256 = arith.cmpi eq, %iota3A, %eq3A_255 : vector<16xi32>
    %broadcast_in_dim3A_257 = vector.broadcast %reduce_sum3A_253 : f32 to vector<16xf32>
    %select_n3A_258 = arith.select %eq3A_256, %broadcast_in_dim3A_257, %select_n3A_222 : vector<16xi1>, vector<16xf32>
    %reduce_sum3A_259 = arith.constant true
    %reduce_sum3A_260 = vector.broadcast %reduce_sum3A_259 : i1 to vector<16xi1>
    %reduce_sum3A_261 = tpu.scan <sum>, %scan3A_8#28 masked %reduce_sum3A_260 : vector<16xf32>, vector<16xi1> -> vector<16xf32>
    %reduce_sum3A_262 = vector.extract %reduce_sum3A_261[15] : f32 from vector<16xf32>
    %eq3A_263 = arith.constant 7 : i32
    %eq3A_264 = vector.broadcast %eq3A_263 : i32 to vector<16xi32>
    %eq3A_265 = arith.cmpi eq, %iota3A, %eq3A_264 : vector<16xi32>
    %broadcast_in_dim3A_266 = vector.broadcast %reduce_sum3A_262 : f32 to vector<16xf32>
    %select_n3A_267 = arith.select %eq3A_265, %broadcast_in_dim3A_266, %select_n3A_231 : vector<16xi1>, vector<16xf32>
    %reduce_sum3A_268 = arith.constant true
    %reduce_sum3A_269 = vector.broadcast %reduce_sum3A_268 : i1 to vector<16xi1>
    %reduce_sum3A_270 = tpu.scan <sum>, %scan3A_8#29 masked %reduce_sum3A_269 : vector<16xf32>, vector<16xi1> -> vector<16xf32>
    %reduce_sum3A_271 = vector.extract %reduce_sum3A_270[15] : f32 from vector<16xf32>
    %eq3A_272 = arith.constant 7 : i32
    %eq3A_273 = vector.broadcast %eq3A_272 : i32 to vector<16xi32>
    %eq3A_274 = arith.cmpi eq, %iota3A, %eq3A_273 : vector<16xi32>
    %broadcast_in_dim3A_275 = vector.broadcast %reduce_sum3A_271 : f32 to vector<16xf32>
    %select_n3A_276 = arith.select %eq3A_274, %broadcast_in_dim3A_275, %select_n3A_240 : vector<16xi1>, vector<16xf32>
    %reduce_sum3A_277 = arith.constant true
    %reduce_sum3A_278 = vector.broadcast %reduce_sum3A_277 : i1 to vector<16xi1>
    %reduce_sum3A_279 = tpu.scan <sum>, %scan3A_8#30 masked %reduce_sum3A_278 : vector<16xf32>, vector<16xi1> -> vector<16xf32>
    %reduce_sum3A_280 = vector.extract %reduce_sum3A_279[15] : f32 from vector<16xf32>
    %eq3A_281 = arith.constant 7 : i32
    %eq3A_282 = vector.broadcast %eq3A_281 : i32 to vector<16xi32>
    %eq3A_283 = arith.cmpi eq, %iota3A, %eq3A_282 : vector<16xi32>
    %broadcast_in_dim3A_284 = vector.broadcast %reduce_sum3A_280 : f32 to vector<16xf32>
    %select_n3A_285 = arith.select %eq3A_283, %broadcast_in_dim3A_284, %select_n3A_249 : vector<16xi1>, vector<16xf32>
    %reduce_sum3A_286 = arith.constant true
    %reduce_sum3A_287 = vector.broadcast %reduce_sum3A_286 : i1 to vector<16xi1>
    %reduce_sum3A_288 = tpu.scan <sum>, %scan3A_8#31 masked %reduce_sum3A_287 : vector<16xf32>, vector<16xi1> -> vector<16xf32>
    %reduce_sum3A_289 = vector.extract %reduce_sum3A_288[15] : f32 from vector<16xf32>
    %eq3A_290 = arith.constant 7 : i32
    %eq3A_291 = vector.broadcast %eq3A_290 : i32 to vector<16xi32>
    %eq3A_292 = arith.cmpi eq, %iota3A, %eq3A_291 : vector<16xi32>
    %broadcast_in_dim3A_293 = vector.broadcast %reduce_sum3A_289 : f32 to vector<16xf32>
    %select_n3A_294 = arith.select %eq3A_292, %broadcast_in_dim3A_293, %select_n3A_258 : vector<16xi1>, vector<16xf32>
    %scan3A_295 = arith.constant 0 : i32
    %scan3A_296 = arith.constant 64 : i32
    %scan3A_297 = arith.addi %scan3A_295, %scan3A_296 : i32
    %scan3A_298 = arith.constant 1 : i32
    %scan3A_299:32 = scf.for %scan3A_876 = %scan3A_295 to %scan3A_297 step %scan3A_298 iter_args(%scan3A_877 = %broadcast_in_dim3A_4, %scan3A_878 = %broadcast_in_dim3A_4, %scan3A_879 = %broadcast_in_dim3A_4, %scan3A_880 = %broadcast_in_dim3A_4, %scan3A_881 = %broadcast_in_dim3A_4, %scan3A_882 = %broadcast_in_dim3A_4, %scan3A_883 = %broadcast_in_dim3A_4, %scan3A_884 = %broadcast_in_dim3A_4, %scan3A_885 = %broadcast_in_dim3A_4, %scan3A_886 = %broadcast_in_dim3A_4, %scan3A_887 = %broadcast_in_dim3A_4, %scan3A_888 = %broadcast_in_dim3A_4, %scan3A_889 = %broadcast_in_dim3A_4, %scan3A_890 = %broadcast_in_dim3A_4, %scan3A_891 = %broadcast_in_dim3A_4, %scan3A_892 = %broadcast_in_dim3A_4, %scan3A_893 = %broadcast_in_dim3A_4, %scan3A_894 = %broadcast_in_dim3A_4, %scan3A_895 = %broadcast_in_dim3A_4, %scan3A_896 = %broadcast_in_dim3A_4, %scan3A_897 = %broadcast_in_dim3A_4, %scan3A_898 = %broadcast_in_dim3A_4, %scan3A_899 = %broadcast_in_dim3A_4, %scan3A_900 = %broadcast_in_dim3A_4, %scan3A_901 = %broadcast_in_dim3A_4, %scan3A_902 = %broadcast_in_dim3A_4, %scan3A_903 = %broadcast_in_dim3A_4, %scan3A_904 = %broadcast_in_dim3A_4, %scan3A_905 = %broadcast_in_dim3A_4, %scan3A_906 = %broadcast_in_dim3A_4, %scan3A_907 = %broadcast_in_dim3A_4, %scan3A_908 = %broadcast_in_dim3A_4) -> (vector<16xf32>, vector<16xf32>, vector<16xf32>, vector<16xf32>, vector<16xf32>, vector<16xf32>, vector<16xf32>, vector<16xf32>, vector<16xf32>, vector<16xf32>, vector<16xf32>, vector<16xf32>, vector<16xf32>, vector<16xf32>, vector<16xf32>, vector<16xf32>, vector<16xf32>, vector<16xf32>, vector<16xf32>, vector<16xf32>, vector<16xf32>, vector<16xf32>, vector<16xf32>, vector<16xf32>, vector<16xf32>, vector<16xf32>, vector<16xf32>, vector<16xf32>, vector<16xf32>, vector<16xf32>, vector<16xf32>, vector<16xf32>)  : i32 {
      %mul3A_909 = arith.constant 1 : i32
      %mul3A_910 = arith.muli %scan3A_876, %mul3A_909 : i32
      %add3A_911 = arith.constant 0 : i32
      %add3A_912 = arith.addi %mul3A_910, %add3A_911 : i32
      %mul3A_913 = arith.constant 16 : i32
      %mul3A_914 = arith.muli %add3A_912, %mul3A_913 : i32
      %get3A_915 = arith.constant 0 : i32
      %get3A_916 = arith.index_cast %get3A_915 : i32 to index
      %get3A_917 = arith.index_cast %mul3A_914 : i32 to index
      %get3A_918 = tpu.vector_load %arg6[%get3A_916, %get3A_917] {strides = array<i32>} : memref<4x1024xf32, #tpu.memory_space<vmem>>, vector<16xf32>,
      %get3A_919 = arith.constant 1 : i32
      %get3A_920 = arith.index_cast %get3A_919 : i32 to index
      %get3A_921 = arith.index_cast %mul3A_914 : i32 to index
      %get3A_922 = tpu.vector_load %arg6[%get3A_920, %get3A_921] {strides = array<i32>} : memref<4x1024xf32, #tpu.memory_space<vmem>>, vector<16xf32>,
      %get3A_923 = arith.constant 2 : i32
      %get3A_924 = arith.index_cast %get3A_923 : i32 to index
      %get3A_925 = arith.index_cast %mul3A_914 : i32 to index
      %get3A_926 = tpu.vector_load %arg6[%get3A_924, %get3A_925] {strides = array<i32>} : memref<4x1024xf32, #tpu.memory_space<vmem>>, vector<16xf32>,
      %get3A_927 = arith.constant 3 : i32
      %get3A_928 = arith.index_cast %get3A_927 : i32 to index
      %get3A_929 = arith.index_cast %mul3A_914 : i32 to index
      %get3A_930 = tpu.vector_load %arg6[%get3A_928, %get3A_929] {strides = array<i32>} : memref<4x1024xf32, #tpu.memory_space<vmem>>, vector<16xf32>,
      %get3A_931 = arith.constant 8 : i32
      %get3A_932 = arith.index_cast %get3A_931 : i32 to index
      %get3A_933 = arith.index_cast %mul3A_914 : i32 to index
      %get3A_934 = tpu.vector_load %arg7[%get3A_932, %get3A_933] {strides = array<i32>} : memref<16x1024xf32, #tpu.memory_space<vmem>>, vector<16xf32>,
      %mul3A_935 = arith.mulf %get3A_918, %get3A_934 : vector<16xf32>
      %add3A_936 = arith.addf %scan3A_877, %mul3A_935 : vector<16xf32>
      %mul3A_937 = arith.mulf %get3A_922, %get3A_934 : vector<16xf32>
      %add3A_938 = arith.addf %scan3A_878, %mul3A_937 : vector<16xf32>
      %mul3A_939 = arith.mulf %get3A_926, %get3A_934 : vector<16xf32>
      %add3A_940 = arith.addf %scan3A_879, %mul3A_939 : vector<16xf32>
      %mul3A_941 = arith.mulf %get3A_930, %get3A_934 : vector<16xf32>
      %add3A_942 = arith.addf %scan3A_880, %mul3A_941 : vector<16xf32>
      %get3A_943 = arith.constant 9 : i32
      %get3A_944 = arith.index_cast %get3A_943 : i32 to index
      %get3A_945 = arith.index_cast %mul3A_914 : i32 to index
      %get3A_946 = tpu.vector_load %arg7[%get3A_944, %get3A_945] {strides = array<i32>} : memref<16x1024xf32, #tpu.memory_space<vmem>>, vector<16xf32>,
      %mul3A_947 = arith.mulf %get3A_918, %get3A_946 : vector<16xf32>
      %add3A_948 = arith.addf %scan3A_881, %mul3A_947 : vector<16xf32>
      %mul3A_949 = arith.mulf %get3A_922, %get3A_946 : vector<16xf32>
      %add3A_950 = arith.addf %scan3A_882, %mul3A_949 : vector<16xf32>
      %mul3A_951 = arith.mulf %get3A_926, %get3A_946 : vector<16xf32>
      %add3A_952 = arith.addf %scan3A_883, %mul3A_951 : vector<16xf32>
      %mul3A_953 = arith.mulf %get3A_930, %get3A_946 : vector<16xf32>
      %add3A_954 = arith.addf %scan3A_884, %mul3A_953 : vector<16xf32>
      %get3A_955 = arith.constant 10 : i32
      %get3A_956 = arith.index_cast %get3A_955 : i32 to index
      %get3A_957 = arith.index_cast %mul3A_914 : i32 to index
      %get3A_958 = tpu.vector_load %arg7[%get3A_956, %get3A_957] {strides = array<i32>} : memref<16x1024xf32, #tpu.memory_space<vmem>>, vector<16xf32>,
      %mul3A_959 = arith.mulf %get3A_918, %get3A_958 : vector<16xf32>
      %add3A_960 = arith.addf %scan3A_885, %mul3A_959 : vector<16xf32>
      %mul3A_961 = arith.mulf %get3A_922, %get3A_958 : vector<16xf32>
      %add3A_962 = arith.addf %scan3A_886, %mul3A_961 : vector<16xf32>
      %mul3A_963 = arith.mulf %get3A_926, %get3A_958 : vector<16xf32>
      %add3A_964 = arith.addf %scan3A_887, %mul3A_963 : vector<16xf32>
      %mul3A_965 = arith.mulf %get3A_930, %get3A_958 : vector<16xf32>
      %add3A_966 = arith.addf %scan3A_888, %mul3A_965 : vector<16xf32>
      %get3A_967 = arith.constant 11 : i32
      %get3A_968 = arith.index_cast %get3A_967 : i32 to index
      %get3A_969 = arith.index_cast %mul3A_914 : i32 to index
      %get3A_970 = tpu.vector_load %arg7[%get3A_968, %get3A_969] {strides = array<i32>} : memref<16x1024xf32, #tpu.memory_space<vmem>>, vector<16xf32>,
      %mul3A_971 = arith.mulf %get3A_918, %get3A_970 : vector<16xf32>
      %add3A_972 = arith.addf %scan3A_889, %mul3A_971 : vector<16xf32>
      %mul3A_973 = arith.mulf %get3A_922, %get3A_970 : vector<16xf32>
      %add3A_974 = arith.addf %scan3A_890, %mul3A_973 : vector<16xf32>
      %mul3A_975 = arith.mulf %get3A_926, %get3A_970 : vector<16xf32>
      %add3A_976 = arith.addf %scan3A_891, %mul3A_975 : vector<16xf32>
      %mul3A_977 = arith.mulf %get3A_930, %get3A_970 : vector<16xf32>
      %add3A_978 = arith.addf %scan3A_892, %mul3A_977 : vector<16xf32>
      %get3A_979 = arith.constant 12 : i32
      %get3A_980 = arith.index_cast %get3A_979 : i32 to index
      %get3A_981 = arith.index_cast %mul3A_914 : i32 to index
      %get3A_982 = tpu.vector_load %arg7[%get3A_980, %get3A_981] {strides = array<i32>} : memref<16x1024xf32, #tpu.memory_space<vmem>>, vector<16xf32>,
      %mul3A_983 = arith.mulf %get3A_918, %get3A_982 : vector<16xf32>
      %add3A_984 = arith.addf %scan3A_893, %mul3A_983 : vector<16xf32>
      %mul3A_985 = arith.mulf %get3A_922, %get3A_982 : vector<16xf32>
      %add3A_986 = arith.addf %scan3A_894, %mul3A_985 : vector<16xf32>
      %mul3A_987 = arith.mulf %get3A_926, %get3A_982 : vector<16xf32>
      %add3A_988 = arith.addf %scan3A_895, %mul3A_987 : vector<16xf32>
      %mul3A_989 = arith.mulf %get3A_930, %get3A_982 : vector<16xf32>
      %add3A_990 = arith.addf %scan3A_896, %mul3A_989 : vector<16xf32>
      %get3A_991 = arith.constant 13 : i32
      %get3A_992 = arith.index_cast %get3A_991 : i32 to index
      %get3A_993 = arith.index_cast %mul3A_914 : i32 to index
      %get3A_994 = tpu.vector_load %arg7[%get3A_992, %get3A_993] {strides = array<i32>} : memref<16x1024xf32, #tpu.memory_space<vmem>>, vector<16xf32>,
      %mul3A_995 = arith.mulf %get3A_918, %get3A_994 : vector<16xf32>
      %add3A_996 = arith.addf %scan3A_897, %mul3A_995 : vector<16xf32>
      %mul3A_997 = arith.mulf %get3A_922, %get3A_994 : vector<16xf32>
      %add3A_998 = arith.addf %scan3A_898, %mul3A_997 : vector<16xf32>
      %mul3A_999 = arith.mulf %get3A_926, %get3A_994 : vector<16xf32>
      %add3A_1000 = arith.addf %scan3A_899, %mul3A_999 : vector<16xf32>
      %mul3A_1001 = arith.mulf %get3A_930, %get3A_994 : vector<16xf32>
      %add3A_1002 = arith.addf %scan3A_900, %mul3A_1001 : vector<16xf32>
      %get3A_1003 = arith.constant 14 : i32
      %get3A_1004 = arith.index_cast %get3A_1003 : i32 to index
      %get3A_1005 = arith.index_cast %mul3A_914 : i32 to index
      %get3A_1006 = tpu.vector_load %arg7[%get3A_1004, %get3A_1005] {strides = array<i32>} : memref<16x1024xf32, #tpu.memory_space<vmem>>, vector<16xf32>,
      %mul3A_1007 = arith.mulf %get3A_918, %get3A_1006 : vector<16xf32>
      %add3A_1008 = arith.addf %scan3A_901, %mul3A_1007 : vector<16xf32>
      %mul3A_1009 = arith.mulf %get3A_922, %get3A_1006 : vector<16xf32>
      %add3A_1010 = arith.addf %scan3A_902, %mul3A_1009 : vector<16xf32>
      %mul3A_1011 = arith.mulf %get3A_926, %get3A_1006 : vector<16xf32>
      %add3A_1012 = arith.addf %scan3A_903, %mul3A_1011 : vector<16xf32>
      %mul3A_1013 = arith.mulf %get3A_930, %get3A_1006 : vector<16xf32>
      %add3A_1014 = arith.addf %scan3A_904, %mul3A_1013 : vector<16xf32>
      %get3A_1015 = arith.constant 15 : i32
      %get3A_1016 = arith.index_cast %get3A_1015 : i32 to index
      %get3A_1017 = arith.index_cast %mul3A_914 : i32 to index
      %get3A_1018 = tpu.vector_load %arg7[%get3A_1016, %get3A_1017] {strides = array<i32>} : memref<16x1024xf32, #tpu.memory_space<vmem>>, vector<16xf32>,
      %mul3A_1019 = arith.mulf %get3A_918, %get3A_1018 : vector<16xf32>
      %add3A_1020 = arith.addf %scan3A_905, %mul3A_1019 : vector<16xf32>
      %mul3A_1021 = arith.mulf %get3A_922, %get3A_1018 : vector<16xf32>
      %add3A_1022 = arith.addf %scan3A_906, %mul3A_1021 : vector<16xf32>
      %mul3A_1023 = arith.mulf %get3A_926, %get3A_1018 : vector<16xf32>
      %add3A_1024 = arith.addf %scan3A_907, %mul3A_1023 : vector<16xf32>
      %mul3A_1025 = arith.mulf %get3A_930, %get3A_1018 : vector<16xf32>
      %add3A_1026 = arith.addf %scan3A_908, %mul3A_1025 : vector<16xf32>
      scf.yield %add3A_936, %add3A_938, %add3A_940, %add3A_942, %add3A_948, %add3A_950, %add3A_952, %add3A_954, %add3A_960, %add3A_962, %add3A_964, %add3A_966, %add3A_972, %add3A_974, %add3A_976, %add3A_978, %add3A_984, %add3A_986, %add3A_988, %add3A_990, %add3A_996, %add3A_998, %add3A_1000, %add3A_1002, %add3A_1008, %add3A_1010, %add3A_1012, %add3A_1014, %add3A_1020, %add3A_1022, %add3A_1024, %add3A_1026 : vector<16xf32>, vector<16xf32>, vector<16xf32>, vector<16xf32>, vector<16xf32>, vector<16xf32>, vector<16xf32>, vector<16xf32>, vector<16xf32>, vector<16xf32>, vector<16xf32>, vector<16xf32>, vector<16xf32>, vector<16xf32>, vector<16xf32>, vector<16xf32>, vector<16xf32>, vector<16xf32>, vector<16xf32>, vector<16xf32>, vector<16xf32>, vector<16xf32>, vector<16xf32>, vector<16xf32>, vector<16xf32>, vector<16xf32>, vector<16xf32>, vector<16xf32>, vector<16xf32>, vector<16xf32>, vector<16xf32>, vector<16xf32>
    }
    %scan3A_300 = arith.constant 64 : i32
    %reduce_sum3A_301 = arith.constant true
    %reduce_sum3A_302 = vector.broadcast %reduce_sum3A_301 : i1 to vector<16xi1>
    %reduce_sum3A_303 = tpu.scan <sum>, %scan3A_299#0 masked %reduce_sum3A_302 : vector<16xf32>, vector<16xi1> -> vector<16xf32>
    %reduce_sum3A_304 = vector.extract %reduce_sum3A_303[15] : f32 from vector<16xf32>
    %eq3A_305 = arith.constant 8 : i32
    %eq3A_306 = vector.broadcast %eq3A_305 : i32 to vector<16xi32>
    %eq3A_307 = arith.cmpi eq, %iota3A, %eq3A_306 : vector<16xi32>
    %broadcast_in_dim3A_308 = vector.broadcast %reduce_sum3A_304 : f32 to vector<16xf32>
    %select_n3A_309 = arith.select %eq3A_307, %broadcast_in_dim3A_308, %select_n3A_267 : vector<16xi1>, vector<16xf32>
    %reduce_sum3A_310 = arith.constant true
    %reduce_sum3A_311 = vector.broadcast %reduce_sum3A_310 : i1 to vector<16xi1>
    %reduce_sum3A_312 = tpu.scan <sum>, %scan3A_299#1 masked %reduce_sum3A_311 : vector<16xf32>, vector<16xi1> -> vector<16xf32>
    %reduce_sum3A_313 = vector.extract %reduce_sum3A_312[15] : f32 from vector<16xf32>
    %eq3A_314 = arith.constant 8 : i32
    %eq3A_315 = vector.broadcast %eq3A_314 : i32 to vector<16xi32>
    %eq3A_316 = arith.cmpi eq, %iota3A, %eq3A_315 : vector<16xi32>
    %broadcast_in_dim3A_317 = vector.broadcast %reduce_sum3A_313 : f32 to vector<16xf32>
    %select_n3A_318 = arith.select %eq3A_316, %broadcast_in_dim3A_317, %select_n3A_276 : vector<16xi1>, vector<16xf32>
    %reduce_sum3A_319 = arith.constant true
    %reduce_sum3A_320 = vector.broadcast %reduce_sum3A_319 : i1 to vector<16xi1>
    %reduce_sum3A_321 = tpu.scan <sum>, %scan3A_299#2 masked %reduce_sum3A_320 : vector<16xf32>, vector<16xi1> -> vector<16xf32>
    %reduce_sum3A_322 = vector.extract %reduce_sum3A_321[15] : f32 from vector<16xf32>
    %eq3A_323 = arith.constant 8 : i32
    %eq3A_324 = vector.broadcast %eq3A_323 : i32 to vector<16xi32>
    %eq3A_325 = arith.cmpi eq, %iota3A, %eq3A_324 : vector<16xi32>
    %broadcast_in_dim3A_326 = vector.broadcast %reduce_sum3A_322 : f32 to vector<16xf32>
    %select_n3A_327 = arith.select %eq3A_325, %broadcast_in_dim3A_326, %select_n3A_285 : vector<16xi1>, vector<16xf32>
    %reduce_sum3A_328 = arith.constant true
    %reduce_sum3A_329 = vector.broadcast %reduce_sum3A_328 : i1 to vector<16xi1>
    %reduce_sum3A_330 = tpu.scan <sum>, %scan3A_299#3 masked %reduce_sum3A_329 : vector<16xf32>, vector<16xi1> -> vector<16xf32>
    %reduce_sum3A_331 = vector.extract %reduce_sum3A_330[15] : f32 from vector<16xf32>
    %eq3A_332 = arith.constant 8 : i32
    %eq3A_333 = vector.broadcast %eq3A_332 : i32 to vector<16xi32>
    %eq3A_334 = arith.cmpi eq, %iota3A, %eq3A_333 : vector<16xi32>
    %broadcast_in_dim3A_335 = vector.broadcast %reduce_sum3A_331 : f32 to vector<16xf32>
    %select_n3A_336 = arith.select %eq3A_334, %broadcast_in_dim3A_335, %select_n3A_294 : vector<16xi1>, vector<16xf32>
    %reduce_sum3A_337 = arith.constant true
    %reduce_sum3A_338 = vector.broadcast %reduce_sum3A_337 : i1 to vector<16xi1>
    %reduce_sum3A_339 = tpu.scan <sum>, %scan3A_299#4 masked %reduce_sum3A_338 : vector<16xf32>, vector<16xi1> -> vector<16xf32>
    %reduce_sum3A_340 = vector.extract %reduce_sum3A_339[15] : f32 from vector<16xf32>
    %eq3A_341 = arith.constant 9 : i32
    %eq3A_342 = vector.broadcast %eq3A_341 : i32 to vector<16xi32>
    %eq3A_343 = arith.cmpi eq, %iota3A, %eq3A_342 : vector<16xi32>
    %broadcast_in_dim3A_344 = vector.broadcast %reduce_sum3A_340 : f32 to vector<16xf32>
    %select_n3A_345 = arith.select %eq3A_343, %broadcast_in_dim3A_344, %select_n3A_309 : vector<16xi1>, vector<16xf32>
    %reduce_sum3A_346 = arith.constant true
    %reduce_sum3A_347 = vector.broadcast %reduce_sum3A_346 : i1 to vector<16xi1>
    %reduce_sum3A_348 = tpu.scan <sum>, %scan3A_299#5 masked %reduce_sum3A_347 : vector<16xf32>, vector<16xi1> -> vector<16xf32>
    %reduce_sum3A_349 = vector.extract %reduce_sum3A_348[15] : f32 from vector<16xf32>
    %eq3A_350 = arith.constant 9 : i32
    %eq3A_351 = vector.broadcast %eq3A_350 : i32 to vector<16xi32>
    %eq3A_352 = arith.cmpi eq, %iota3A, %eq3A_351 : vector<16xi32>
    %broadcast_in_dim3A_353 = vector.broadcast %reduce_sum3A_349 : f32 to vector<16xf32>
    %select_n3A_354 = arith.select %eq3A_352, %broadcast_in_dim3A_353, %select_n3A_318 : vector<16xi1>, vector<16xf32>
    %reduce_sum3A_355 = arith.constant true
    %reduce_sum3A_356 = vector.broadcast %reduce_sum3A_355 : i1 to vector<16xi1>
    %reduce_sum3A_357 = tpu.scan <sum>, %scan3A_299#6 masked %reduce_sum3A_356 : vector<16xf32>, vector<16xi1> -> vector<16xf32>
    %reduce_sum3A_358 = vector.extract %reduce_sum3A_357[15] : f32 from vector<16xf32>
    %eq3A_359 = arith.constant 9 : i32
    %eq3A_360 = vector.broadcast %eq3A_359 : i32 to vector<16xi32>
    %eq3A_361 = arith.cmpi eq, %iota3A, %eq3A_360 : vector<16xi32>
    %broadcast_in_dim3A_362 = vector.broadcast %reduce_sum3A_358 : f32 to vector<16xf32>
    %select_n3A_363 = arith.select %eq3A_361, %broadcast_in_dim3A_362, %select_n3A_327 : vector<16xi1>, vector<16xf32>
    %reduce_sum3A_364 = arith.constant true
    %reduce_sum3A_365 = vector.broadcast %reduce_sum3A_364 : i1 to vector<16xi1>
    %reduce_sum3A_366 = tpu.scan <sum>, %scan3A_299#7 masked %reduce_sum3A_365 : vector<16xf32>, vector<16xi1> -> vector<16xf32>
    %reduce_sum3A_367 = vector.extract %reduce_sum3A_366[15] : f32 from vector<16xf32>
    %eq3A_368 = arith.constant 9 : i32
    %eq3A_369 = vector.broadcast %eq3A_368 : i32 to vector<16xi32>
    %eq3A_370 = arith.cmpi eq, %iota3A, %eq3A_369 : vector<16xi32>
    %broadcast_in_dim3A_371 = vector.broadcast %reduce_sum3A_367 : f32 to vector<16xf32>
    %select_n3A_372 = arith.select %eq3A_370, %broadcast_in_dim3A_371, %select_n3A_336 : vector<16xi1>, vector<16xf32>
    %reduce_sum3A_373 = arith.constant true
    %reduce_sum3A_374 = vector.broadcast %reduce_sum3A_373 : i1 to vector<16xi1>
    %reduce_sum3A_375 = tpu.scan <sum>, %scan3A_299#8 masked %reduce_sum3A_374 : vector<16xf32>, vector<16xi1> -> vector<16xf32>
    %reduce_sum3A_376 = vector.extract %reduce_sum3A_375[15] : f32 from vector<16xf32>
    %eq3A_377 = arith.constant 10 : i32
    %eq3A_378 = vector.broadcast %eq3A_377 : i32 to vector<16xi32>
    %eq3A_379 = arith.cmpi eq, %iota3A, %eq3A_378 : vector<16xi32>
    %broadcast_in_dim3A_380 = vector.broadcast %reduce_sum3A_376 : f32 to vector<16xf32>
    %select_n3A_381 = arith.select %eq3A_379, %broadcast_in_dim3A_380, %select_n3A_345 : vector<16xi1>, vector<16xf32>
    %reduce_sum3A_382 = arith.constant true
    %reduce_sum3A_383 = vector.broadcast %reduce_sum3A_382 : i1 to vector<16xi1>
    %reduce_sum3A_384 = tpu.scan <sum>, %scan3A_299#9 masked %reduce_sum3A_383 : vector<16xf32>, vector<16xi1> -> vector<16xf32>
    %reduce_sum3A_385 = vector.extract %reduce_sum3A_384[15] : f32 from vector<16xf32>
    %eq3A_386 = arith.constant 10 : i32
    %eq3A_387 = vector.broadcast %eq3A_386 : i32 to vector<16xi32>
    %eq3A_388 = arith.cmpi eq, %iota3A, %eq3A_387 : vector<16xi32>
    %broadcast_in_dim3A_389 = vector.broadcast %reduce_sum3A_385 : f32 to vector<16xf32>
    %select_n3A_390 = arith.select %eq3A_388, %broadcast_in_dim3A_389, %select_n3A_354 : vector<16xi1>, vector<16xf32>
    %reduce_sum3A_391 = arith.constant true
    %reduce_sum3A_392 = vector.broadcast %reduce_sum3A_391 : i1 to vector<16xi1>
    %reduce_sum3A_393 = tpu.scan <sum>, %scan3A_299#10 masked %reduce_sum3A_392 : vector<16xf32>, vector<16xi1> -> vector<16xf32>
    %reduce_sum3A_394 = vector.extract %reduce_sum3A_393[15] : f32 from vector<16xf32>
    %eq3A_395 = arith.constant 10 : i32
    %eq3A_396 = vector.broadcast %eq3A_395 : i32 to vector<16xi32>
    %eq3A_397 = arith.cmpi eq, %iota3A, %eq3A_396 : vector<16xi32>
    %broadcast_in_dim3A_398 = vector.broadcast %reduce_sum3A_394 : f32 to vector<16xf32>
    %select_n3A_399 = arith.select %eq3A_397, %broadcast_in_dim3A_398, %select_n3A_363 : vector<16xi1>, vector<16xf32>
    %reduce_sum3A_400 = arith.constant true
    %reduce_sum3A_401 = vector.broadcast %reduce_sum3A_400 : i1 to vector<16xi1>
    %reduce_sum3A_402 = tpu.scan <sum>, %scan3A_299#11 masked %reduce_sum3A_401 : vector<16xf32>, vector<16xi1> -> vector<16xf32>
    %reduce_sum3A_403 = vector.extract %reduce_sum3A_402[15] : f32 from vector<16xf32>
    %eq3A_404 = arith.constant 10 : i32
    %eq3A_405 = vector.broadcast %eq3A_404 : i32 to vector<16xi32>
    %eq3A_406 = arith.cmpi eq, %iota3A, %eq3A_405 : vector<16xi32>
    %broadcast_in_dim3A_407 = vector.broadcast %reduce_sum3A_403 : f32 to vector<16xf32>
    %select_n3A_408 = arith.select %eq3A_406, %broadcast_in_dim3A_407, %select_n3A_372 : vector<16xi1>, vector<16xf32>
    %reduce_sum3A_409 = arith.constant true
    %reduce_sum3A_410 = vector.broadcast %reduce_sum3A_409 : i1 to vector<16xi1>
    %reduce_sum3A_411 = tpu.scan <sum>, %scan3A_299#12 masked %reduce_sum3A_410 : vector<16xf32>, vector<16xi1> -> vector<16xf32>
    %reduce_sum3A_412 = vector.extract %reduce_sum3A_411[15] : f32 from vector<16xf32>
    %eq3A_413 = arith.constant 11 : i32
    %eq3A_414 = vector.broadcast %eq3A_413 : i32 to vector<16xi32>
    %eq3A_415 = arith.cmpi eq, %iota3A, %eq3A_414 : vector<16xi32>
    %broadcast_in_dim3A_416 = vector.broadcast %reduce_sum3A_412 : f32 to vector<16xf32>
    %select_n3A_417 = arith.select %eq3A_415, %broadcast_in_dim3A_416, %select_n3A_381 : vector<16xi1>, vector<16xf32>
    %reduce_sum3A_418 = arith.constant true
    %reduce_sum3A_419 = vector.broadcast %reduce_sum3A_418 : i1 to vector<16xi1>
    %reduce_sum3A_420 = tpu.scan <sum>, %scan3A_299#13 masked %reduce_sum3A_419 : vector<16xf32>, vector<16xi1> -> vector<16xf32>
    %reduce_sum3A_421 = vector.extract %reduce_sum3A_420[15] : f32 from vector<16xf32>
    %eq3A_422 = arith.constant 11 : i32
    %eq3A_423 = vector.broadcast %eq3A_422 : i32 to vector<16xi32>
    %eq3A_424 = arith.cmpi eq, %iota3A, %eq3A_423 : vector<16xi32>
    %broadcast_in_dim3A_425 = vector.broadcast %reduce_sum3A_421 : f32 to vector<16xf32>
    %select_n3A_426 = arith.select %eq3A_424, %broadcast_in_dim3A_425, %select_n3A_390 : vector<16xi1>, vector<16xf32>
    %reduce_sum3A_427 = arith.constant true
    %reduce_sum3A_428 = vector.broadcast %reduce_sum3A_427 : i1 to vector<16xi1>
    %reduce_sum3A_429 = tpu.scan <sum>, %scan3A_299#14 masked %reduce_sum3A_428 : vector<16xf32>, vector<16xi1> -> vector<16xf32>
    %reduce_sum3A_430 = vector.extract %reduce_sum3A_429[15] : f32 from vector<16xf32>
    %eq3A_431 = arith.constant 11 : i32
    %eq3A_432 = vector.broadcast %eq3A_431 : i32 to vector<16xi32>
    %eq3A_433 = arith.cmpi eq, %iota3A, %eq3A_432 : vector<16xi32>
    %broadcast_in_dim3A_434 = vector.broadcast %reduce_sum3A_430 : f32 to vector<16xf32>
    %select_n3A_435 = arith.select %eq3A_433, %broadcast_in_dim3A_434, %select_n3A_399 : vector<16xi1>, vector<16xf32>
    %reduce_sum3A_436 = arith.constant true
    %reduce_sum3A_437 = vector.broadcast %reduce_sum3A_436 : i1 to vector<16xi1>
    %reduce_sum3A_438 = tpu.scan <sum>, %scan3A_299#15 masked %reduce_sum3A_437 : vector<16xf32>, vector<16xi1> -> vector<16xf32>
    %reduce_sum3A_439 = vector.extract %reduce_sum3A_438[15] : f32 from vector<16xf32>
    %eq3A_440 = arith.constant 11 : i32
    %eq3A_441 = vector.broadcast %eq3A_440 : i32 to vector<16xi32>
    %eq3A_442 = arith.cmpi eq, %iota3A, %eq3A_441 : vector<16xi32>
    %broadcast_in_dim3A_443 = vector.broadcast %reduce_sum3A_439 : f32 to vector<16xf32>
    %select_n3A_444 = arith.select %eq3A_442, %broadcast_in_dim3A_443, %select_n3A_408 : vector<16xi1>, vector<16xf32>
    %reduce_sum3A_445 = arith.constant true
    %reduce_sum3A_446 = vector.broadcast %reduce_sum3A_445 : i1 to vector<16xi1>
    %reduce_sum3A_447 = tpu.scan <sum>, %scan3A_299#16 masked %reduce_sum3A_446 : vector<16xf32>, vector<16xi1> -> vector<16xf32>
    %reduce_sum3A_448 = vector.extract %reduce_sum3A_447[15] : f32 from vector<16xf32>
    %eq3A_449 = arith.constant 12 : i32
    %eq3A_450 = vector.broadcast %eq3A_449 : i32 to vector<16xi32>
    %eq3A_451 = arith.cmpi eq, %iota3A, %eq3A_450 : vector<16xi32>
    %broadcast_in_dim3A_452 = vector.broadcast %reduce_sum3A_448 : f32 to vector<16xf32>
    %select_n3A_453 = arith.select %eq3A_451, %broadcast_in_dim3A_452, %select_n3A_417 : vector<16xi1>, vector<16xf32>
    %reduce_sum3A_454 = arith.constant true
    %reduce_sum3A_455 = vector.broadcast %reduce_sum3A_454 : i1 to vector<16xi1>
    %reduce_sum3A_456 = tpu.scan <sum>, %scan3A_299#17 masked %reduce_sum3A_455 : vector<16xf32>, vector<16xi1> -> vector<16xf32>
    %reduce_sum3A_457 = vector.extract %reduce_sum3A_456[15] : f32 from vector<16xf32>
    %eq3A_458 = arith.constant 12 : i32
    %eq3A_459 = vector.broadcast %eq3A_458 : i32 to vector<16xi32>
    %eq3A_460 = arith.cmpi eq, %iota3A, %eq3A_459 : vector<16xi32>
    %broadcast_in_dim3A_461 = vector.broadcast %reduce_sum3A_457 : f32 to vector<16xf32>
    %select_n3A_462 = arith.select %eq3A_460, %broadcast_in_dim3A_461, %select_n3A_426 : vector<16xi1>, vector<16xf32>
    %reduce_sum3A_463 = arith.constant true
    %reduce_sum3A_464 = vector.broadcast %reduce_sum3A_463 : i1 to vector<16xi1>
    %reduce_sum3A_465 = tpu.scan <sum>, %scan3A_299#18 masked %reduce_sum3A_464 : vector<16xf32>, vector<16xi1> -> vector<16xf32>
    %reduce_sum3A_466 = vector.extract %reduce_sum3A_465[15] : f32 from vector<16xf32>
    %eq3A_467 = arith.constant 12 : i32
    %eq3A_468 = vector.broadcast %eq3A_467 : i32 to vector<16xi32>
    %eq3A_469 = arith.cmpi eq, %iota3A, %eq3A_468 : vector<16xi32>
    %broadcast_in_dim3A_470 = vector.broadcast %reduce_sum3A_466 : f32 to vector<16xf32>
    %select_n3A_471 = arith.select %eq3A_469, %broadcast_in_dim3A_470, %select_n3A_435 : vector<16xi1>, vector<16xf32>
    %reduce_sum3A_472 = arith.constant true
    %reduce_sum3A_473 = vector.broadcast %reduce_sum3A_472 : i1 to vector<16xi1>
    %reduce_sum3A_474 = tpu.scan <sum>, %scan3A_299#19 masked %reduce_sum3A_473 : vector<16xf32>, vector<16xi1> -> vector<16xf32>
    %reduce_sum3A_475 = vector.extract %reduce_sum3A_474[15] : f32 from vector<16xf32>
    %eq3A_476 = arith.constant 12 : i32
    %eq3A_477 = vector.broadcast %eq3A_476 : i32 to vector<16xi32>
    %eq3A_478 = arith.cmpi eq, %iota3A, %eq3A_477 : vector<16xi32>
    %broadcast_in_dim3A_479 = vector.broadcast %reduce_sum3A_475 : f32 to vector<16xf32>
    %select_n3A_480 = arith.select %eq3A_478, %broadcast_in_dim3A_479, %select_n3A_444 : vector<16xi1>, vector<16xf32>
    %reduce_sum3A_481 = arith.constant true
    %reduce_sum3A_482 = vector.broadcast %reduce_sum3A_481 : i1 to vector<16xi1>
    %reduce_sum3A_483 = tpu.scan <sum>, %scan3A_299#20 masked %reduce_sum3A_482 : vector<16xf32>, vector<16xi1> -> vector<16xf32>
    %reduce_sum3A_484 = vector.extract %reduce_sum3A_483[15] : f32 from vector<16xf32>
    %eq3A_485 = arith.constant 13 : i32
    %eq3A_486 = vector.broadcast %eq3A_485 : i32 to vector<16xi32>
    %eq3A_487 = arith.cmpi eq, %iota3A, %eq3A_486 : vector<16xi32>
    %broadcast_in_dim3A_488 = vector.broadcast %reduce_sum3A_484 : f32 to vector<16xf32>
    %select_n3A_489 = arith.select %eq3A_487, %broadcast_in_dim3A_488, %select_n3A_453 : vector<16xi1>, vector<16xf32>
    %reduce_sum3A_490 = arith.constant true
    %reduce_sum3A_491 = vector.broadcast %reduce_sum3A_490 : i1 to vector<16xi1>
    %reduce_sum3A_492 = tpu.scan <sum>, %scan3A_299#21 masked %reduce_sum3A_491 : vector<16xf32>, vector<16xi1> -> vector<16xf32>
    %reduce_sum3A_493 = vector.extract %reduce_sum3A_492[15] : f32 from vector<16xf32>
    %eq3A_494 = arith.constant 13 : i32
    %eq3A_495 = vector.broadcast %eq3A_494 : i32 to vector<16xi32>
    %eq3A_496 = arith.cmpi eq, %iota3A, %eq3A_495 : vector<16xi32>
    %broadcast_in_dim3A_497 = vector.broadcast %reduce_sum3A_493 : f32 to vector<16xf32>
    %select_n3A_498 = arith.select %eq3A_496, %broadcast_in_dim3A_497, %select_n3A_462 : vector<16xi1>, vector<16xf32>
    %reduce_sum3A_499 = arith.constant true
    %reduce_sum3A_500 = vector.broadcast %reduce_sum3A_499 : i1 to vector<16xi1>
    %reduce_sum3A_501 = tpu.scan <sum>, %scan3A_299#22 masked %reduce_sum3A_500 : vector<16xf32>, vector<16xi1> -> vector<16xf32>
    %reduce_sum3A_502 = vector.extract %reduce_sum3A_501[15] : f32 from vector<16xf32>
    %eq3A_503 = arith.constant 13 : i32
    %eq3A_504 = vector.broadcast %eq3A_503 : i32 to vector<16xi32>
    %eq3A_505 = arith.cmpi eq, %iota3A, %eq3A_504 : vector<16xi32>
    %broadcast_in_dim3A_506 = vector.broadcast %reduce_sum3A_502 : f32 to vector<16xf32>
    %select_n3A_507 = arith.select %eq3A_505, %broadcast_in_dim3A_506, %select_n3A_471 : vector<16xi1>, vector<16xf32>
    %reduce_sum3A_508 = arith.constant true
    %reduce_sum3A_509 = vector.broadcast %reduce_sum3A_508 : i1 to vector<16xi1>
    %reduce_sum3A_510 = tpu.scan <sum>, %scan3A_299#23 masked %reduce_sum3A_509 : vector<16xf32>, vector<16xi1> -> vector<16xf32>
    %reduce_sum3A_511 = vector.extract %reduce_sum3A_510[15] : f32 from vector<16xf32>
    %eq3A_512 = arith.constant 13 : i32
    %eq3A_513 = vector.broadcast %eq3A_512 : i32 to vector<16xi32>
    %eq3A_514 = arith.cmpi eq, %iota3A, %eq3A_513 : vector<16xi32>
    %broadcast_in_dim3A_515 = vector.broadcast %reduce_sum3A_511 : f32 to vector<16xf32>
    %select_n3A_516 = arith.select %eq3A_514, %broadcast_in_dim3A_515, %select_n3A_480 : vector<16xi1>, vector<16xf32>
    %reduce_sum3A_517 = arith.constant true
    %reduce_sum3A_518 = vector.broadcast %reduce_sum3A_517 : i1 to vector<16xi1>
    %reduce_sum3A_519 = tpu.scan <sum>, %scan3A_299#24 masked %reduce_sum3A_518 : vector<16xf32>, vector<16xi1> -> vector<16xf32>
    %reduce_sum3A_520 = vector.extract %reduce_sum3A_519[15] : f32 from vector<16xf32>
    %eq3A_521 = arith.constant 14 : i32
    %eq3A_522 = vector.broadcast %eq3A_521 : i32 to vector<16xi32>
    %eq3A_523 = arith.cmpi eq, %iota3A, %eq3A_522 : vector<16xi32>
    %broadcast_in_dim3A_524 = vector.broadcast %reduce_sum3A_520 : f32 to vector<16xf32>
    %select_n3A_525 = arith.select %eq3A_523, %broadcast_in_dim3A_524, %select_n3A_489 : vector<16xi1>, vector<16xf32>
    %reduce_sum3A_526 = arith.constant true
    %reduce_sum3A_527 = vector.broadcast %reduce_sum3A_526 : i1 to vector<16xi1>
    %reduce_sum3A_528 = tpu.scan <sum>, %scan3A_299#25 masked %reduce_sum3A_527 : vector<16xf32>, vector<16xi1> -> vector<16xf32>
    %reduce_sum3A_529 = vector.extract %reduce_sum3A_528[15] : f32 from vector<16xf32>
    %eq3A_530 = arith.constant 14 : i32
    %eq3A_531 = vector.broadcast %eq3A_530 : i32 to vector<16xi32>
    %eq3A_532 = arith.cmpi eq, %iota3A, %eq3A_531 : vector<16xi32>
    %broadcast_in_dim3A_533 = vector.broadcast %reduce_sum3A_529 : f32 to vector<16xf32>
    %select_n3A_534 = arith.select %eq3A_532, %broadcast_in_dim3A_533, %select_n3A_498 : vector<16xi1>, vector<16xf32>
    %reduce_sum3A_535 = arith.constant true
    %reduce_sum3A_536 = vector.broadcast %reduce_sum3A_535 : i1 to vector<16xi1>
    %reduce_sum3A_537 = tpu.scan <sum>, %scan3A_299#26 masked %reduce_sum3A_536 : vector<16xf32>, vector<16xi1> -> vector<16xf32>
    %reduce_sum3A_538 = vector.extract %reduce_sum3A_537[15] : f32 from vector<16xf32>
    %eq3A_539 = arith.constant 14 : i32
    %eq3A_540 = vector.broadcast %eq3A_539 : i32 to vector<16xi32>
    %eq3A_541 = arith.cmpi eq, %iota3A, %eq3A_540 : vector<16xi32>
    %broadcast_in_dim3A_542 = vector.broadcast %reduce_sum3A_538 : f32 to vector<16xf32>
    %select_n3A_543 = arith.select %eq3A_541, %broadcast_in_dim3A_542, %select_n3A_507 : vector<16xi1>, vector<16xf32>
    %reduce_sum3A_544 = arith.constant true
    %reduce_sum3A_545 = vector.broadcast %reduce_sum3A_544 : i1 to vector<16xi1>
    %reduce_sum3A_546 = tpu.scan <sum>, %scan3A_299#27 masked %reduce_sum3A_545 : vector<16xf32>, vector<16xi1> -> vector<16xf32>
    %reduce_sum3A_547 = vector.extract %reduce_sum3A_546[15] : f32 from vector<16xf32>
    %eq3A_548 = arith.constant 14 : i32
    %eq3A_549 = vector.broadcast %eq3A_548 : i32 to vector<16xi32>
    %eq3A_550 = arith.cmpi eq, %iota3A, %eq3A_549 : vector<16xi32>
    %broadcast_in_dim3A_551 = vector.broadcast %reduce_sum3A_547 : f32 to vector<16xf32>
    %select_n3A_552 = arith.select %eq3A_550, %broadcast_in_dim3A_551, %select_n3A_516 : vector<16xi1>, vector<16xf32>
    %reduce_sum3A_553 = arith.constant true
    %reduce_sum3A_554 = vector.broadcast %reduce_sum3A_553 : i1 to vector<16xi1>
    %reduce_sum3A_555 = tpu.scan <sum>, %scan3A_299#28 masked %reduce_sum3A_554 : vector<16xf32>, vector<16xi1> -> vector<16xf32>
    %reduce_sum3A_556 = vector.extract %reduce_sum3A_555[15] : f32 from vector<16xf32>
    %eq3A_557 = arith.constant 15 : i32
    %eq3A_558 = vector.broadcast %eq3A_557 : i32 to vector<16xi32>
    %eq3A_559 = arith.cmpi eq, %iota3A, %eq3A_558 : vector<16xi32>
    %broadcast_in_dim3A_560 = vector.broadcast %reduce_sum3A_556 : f32 to vector<16xf32>
    %select_n3A_561 = arith.select %eq3A_559, %broadcast_in_dim3A_560, %select_n3A_525 : vector<16xi1>, vector<16xf32>
    %reduce_sum3A_562 = arith.constant true
    %reduce_sum3A_563 = vector.broadcast %reduce_sum3A_562 : i1 to vector<16xi1>
    %reduce_sum3A_564 = tpu.scan <sum>, %scan3A_299#29 masked %reduce_sum3A_563 : vector<16xf32>, vector<16xi1> -> vector<16xf32>
    %reduce_sum3A_565 = vector.extract %reduce_sum3A_564[15] : f32 from vector<16xf32>
    %eq3A_566 = arith.constant 15 : i32
    %eq3A_567 = vector.broadcast %eq3A_566 : i32 to vector<16xi32>
    %eq3A_568 = arith.cmpi eq, %iota3A, %eq3A_567 : vector<16xi32>
    %broadcast_in_dim3A_569 = vector.broadcast %reduce_sum3A_565 : f32 to vector<16xf32>
    %select_n3A_570 = arith.select %eq3A_568, %broadcast_in_dim3A_569, %select_n3A_534 : vector<16xi1>, vector<16xf32>
    %reduce_sum3A_571 = arith.constant true
    %reduce_sum3A_572 = vector.broadcast %reduce_sum3A_571 : i1 to vector<16xi1>
    %reduce_sum3A_573 = tpu.scan <sum>, %scan3A_299#30 masked %reduce_sum3A_572 : vector<16xf32>, vector<16xi1> -> vector<16xf32>
    %reduce_sum3A_574 = vector.extract %reduce_sum3A_573[15] : f32 from vector<16xf32>
    %eq3A_575 = arith.constant 15 : i32
    %eq3A_576 = vector.broadcast %eq3A_575 : i32 to vector<16xi32>
    %eq3A_577 = arith.cmpi eq, %iota3A, %eq3A_576 : vector<16xi32>
    %broadcast_in_dim3A_578 = vector.broadcast %reduce_sum3A_574 : f32 to vector<16xf32>
    %select_n3A_579 = arith.select %eq3A_577, %broadcast_in_dim3A_578, %select_n3A_543 : vector<16xi1>, vector<16xf32>
    %reduce_sum3A_580 = arith.constant true
    %reduce_sum3A_581 = vector.broadcast %reduce_sum3A_580 : i1 to vector<16xi1>
    %reduce_sum3A_582 = tpu.scan <sum>, %scan3A_299#31 masked %reduce_sum3A_581 : vector<16xf32>, vector<16xi1> -> vector<16xf32>
    %reduce_sum3A_583 = vector.extract %reduce_sum3A_582[15] : f32 from vector<16xf32>
    %eq3A_584 = arith.constant 15 : i32
    %eq3A_585 = vector.broadcast %eq3A_584 : i32 to vector<16xi32>
    %eq3A_586 = arith.cmpi eq, %iota3A, %eq3A_585 : vector<16xi32>
    %broadcast_in_dim3A_587 = vector.broadcast %reduce_sum3A_583 : f32 to vector<16xf32>
    %select_n3A_588 = arith.select %eq3A_586, %broadcast_in_dim3A_587, %select_n3A_552 : vector<16xi1>, vector<16xf32>
    %broadcast_in_dim3A_589 = arith.constant 0 : i32
    %broadcast_in_dim3A_590 = vector.broadcast %broadcast_in_dim3A_589 : i32 to vector<16xi32>
    %add3A_591 = arith.addf %select_n3A_561, %get3A_3 : vector<16xf32>
    %reduce_max3A = arith.constant true
    %reduce_max3A_592 = vector.broadcast %reduce_max3A : i1 to vector<16xi1>
    %reduce_max3A_593 = tpu.scan <max>, %add3A_591 masked %reduce_max3A_592 : vector<16xf32>, vector<16xi1> -> vector<16xf32>
    %reduce_max3A_594 = vector.extract %reduce_max3A_593[15] : f32 from vector<16xf32>
    %eq3A_595 = vector.broadcast %reduce_max3A_594 : f32 to vector<16xf32>
    %eq3A_596 = arith.cmpf oeq, %add3A_591, %eq3A_595 : vector<16xf32>
    %jit3A = arith.constant 16 : i32
    %broadcast_in_dim3A_597 = vector.broadcast %jit3A : i32 to vector<16xi32>
    %select_n3A_598 = arith.select %eq3A_596, %iota3A, %broadcast_in_dim3A_597 : vector<16xi1>, vector<16xi32>
    %reduce_min3A = arith.constant true
    %reduce_min3A_599 = vector.broadcast %reduce_min3A : i1 to vector<16xi1>
    %reduce_min3A_600 = arith.constant -2147483648 : i32
    %reduce_min3A_601 = vector.broadcast %reduce_min3A_600 : i32 to vector<16xi32>
    %reduce_min3A_602 = arith.xori %select_n3A_598, %reduce_min3A_601 : vector<16xi32>
    %reduce_min3A_603 = tpu.scan <min>, %reduce_min3A_602 masked %reduce_min3A_599 : vector<16xi32>, vector<16xi1> -> vector<16xi32>
    %reduce_min3A_604 = arith.xori %reduce_min3A_603, %reduce_min3A_601 : vector<16xi32>
    %reduce_min3A_605 = vector.extract %reduce_min3A_604[15] : i32 from vector<16xi32>
    %eq3A_606 = vector.broadcast %reduce_min3A_605 : i32 to vector<16xi32>
    %eq3A_607 = arith.cmpi eq, %iota3A, %eq3A_606 : vector<16xi32>
    %jit3A_608 = arith.constant -3.000000e+38 : f32
    %broadcast_in_dim3A_609 = vector.broadcast %jit3A_608 : f32 to vector<16xf32>
    %select_n3A_610 = arith.select %eq3A_607, %broadcast_in_dim3A_609, %add3A_591 : vector<16xi1>, vector<16xf32>
    %reduce_max3A_611 = arith.constant true
    %reduce_max3A_612 = vector.broadcast %reduce_max3A_611 : i1 to vector<16xi1>
    %reduce_max3A_613 = tpu.scan <max>, %select_n3A_610 masked %reduce_max3A_612 : vector<16xf32>, vector<16xi1> -> vector<16xf32>
    %reduce_max3A_614 = vector.extract %reduce_max3A_613[15] : f32 from vector<16xf32>
    %eq3A_615 = vector.broadcast %reduce_max3A_614 : f32 to vector<16xf32>
    %eq3A_616 = arith.cmpf oeq, %select_n3A_610, %eq3A_615 : vector<16xf32>
    %jit3A_617 = arith.constant 16 : i32
    %broadcast_in_dim3A_618 = vector.broadcast %jit3A_617 : i32 to vector<16xi32>
    %select_n3A_619 = arith.select %eq3A_616, %iota3A, %broadcast_in_dim3A_618 : vector<16xi1>, vector<16xi32>
    %reduce_min3A_620 = arith.constant true
    %reduce_min3A_621 = vector.broadcast %reduce_min3A_620 : i1 to vector<16xi1>
    %reduce_min3A_622 = arith.constant -2147483648 : i32
    %reduce_min3A_623 = vector.broadcast %reduce_min3A_622 : i32 to vector<16xi32>
    %reduce_min3A_624 = arith.xori %select_n3A_619, %reduce_min3A_623 : vector<16xi32>
    %reduce_min3A_625 = tpu.scan <min>, %reduce_min3A_624 masked %reduce_min3A_621 : vector<16xi32>, vector<16xi1> -> vector<16xi32>
    %reduce_min3A_626 = arith.xori %reduce_min3A_625, %reduce_min3A_623 : vector<16xi32>
    %reduce_min3A_627 = vector.extract %reduce_min3A_626[15] : i32 from vector<16xi32>
    %sub3A = arith.subf %reduce_max3A_614, %reduce_max3A_594 : f32
    %broadcast_in_dim3A_628 = vector.broadcast %sub3A : f32 to vector<16xf32>
    %exp3A = math.exp %broadcast_in_dim3A_628 : vector<16xf32>
    %add3A_629 = arith.constant 1.000000e+00 : f32
    %add3A_630 = vector.broadcast %add3A_629 : f32 to vector<16xf32>
    %add3A_631 = arith.addf %add3A_630, %exp3A : vector<16xf32>
    %div3A = arith.constant 1.000000e+00 : f32
    %div3A_632 = vector.broadcast %div3A : f32 to vector<16xf32>
    %div3A_633 = arith.divf %div3A_632, %add3A_631 : vector<16xf32>
    %add3A_634 = arith.constant 1.000000e+00 : f32
    %add3A_635 = vector.broadcast %add3A_634 : f32 to vector<16xf32>
    %add3A_636 = arith.addf %add3A_635, %exp3A : vector<16xf32>
    %div3A_637 = arith.divf %exp3A, %add3A_636 : vector<16xf32>
    %eq3A_638 = arith.constant 0 : i32
    %eq3A_639 = vector.broadcast %eq3A_638 : i32 to vector<16xi32>
    %eq3A_640 = arith.cmpi eq, %iota3A, %eq3A_639 : vector<16xi32>
    %select_n3A_641 = arith.select %eq3A_640, %div3A_633, %broadcast_in_dim3A_4 : vector<16xi1>, vector<16xf32>
    %eq3A_642 = arith.constant 1 : i32
    %eq3A_643 = vector.broadcast %eq3A_642 : i32 to vector<16xi32>
    %eq3A_644 = arith.cmpi eq, %iota3A, %eq3A_643 : vector<16xi32>
    %select_n3A_645 = arith.select %eq3A_644, %div3A_637, %select_n3A_641 : vector<16xi1>, vector<16xf32>
    %eq3A_646 = arith.constant 0 : i32
    %eq3A_647 = vector.broadcast %eq3A_646 : i32 to vector<16xi32>
    %eq3A_648 = arith.cmpi eq, %iota3A, %eq3A_647 : vector<16xi32>
    %broadcast_in_dim3A_649 = vector.broadcast %reduce_min3A_605 : i32 to vector<16xi32>
    %select_n3A_650 = arith.select %eq3A_648, %broadcast_in_dim3A_649, %broadcast_in_dim3A_590 : vector<16xi1>, vector<16xi32>
    %eq3A_651 = arith.constant 1 : i32
    %eq3A_652 = vector.broadcast %eq3A_651 : i32 to vector<16xi32>
    %eq3A_653 = arith.cmpi eq, %iota3A, %eq3A_652 : vector<16xi32>
    %broadcast_in_dim3A_654 = vector.broadcast %reduce_min3A_627 : i32 to vector<16xi32>
    %select_n3A_655 = arith.select %eq3A_653, %broadcast_in_dim3A_654, %select_n3A_650 : vector<16xi1>, vector<16xi32>
    %add3A_656 = arith.addf %select_n3A_570, %get3A_3 : vector<16xf32>
    %reduce_max3A_657 = arith.constant true
    %reduce_max3A_658 = vector.broadcast %reduce_max3A_657 : i1 to vector<16xi1>
    %reduce_max3A_659 = tpu.scan <max>, %add3A_656 masked %reduce_max3A_658 : vector<16xf32>, vector<16xi1> -> vector<16xf32>
    %reduce_max3A_660 = vector.extract %reduce_max3A_659[15] : f32 from vector<16xf32>
    %eq3A_661 = vector.broadcast %reduce_max3A_660 : f32 to vector<16xf32>
    %eq3A_662 = arith.cmpf oeq, %add3A_656, %eq3A_661 : vector<16xf32>
    %jit3A_663 = arith.constant 16 : i32
    %broadcast_in_dim3A_664 = vector.broadcast %jit3A_663 : i32 to vector<16xi32>
    %select_n3A_665 = arith.select %eq3A_662, %iota3A, %broadcast_in_dim3A_664 : vector<16xi1>, vector<16xi32>
    %reduce_min3A_666 = arith.constant true
    %reduce_min3A_667 = vector.broadcast %reduce_min3A_666 : i1 to vector<16xi1>
    %reduce_min3A_668 = arith.constant -2147483648 : i32
    %reduce_min3A_669 = vector.broadcast %reduce_min3A_668 : i32 to vector<16xi32>
    %reduce_min3A_670 = arith.xori %select_n3A_665, %reduce_min3A_669 : vector<16xi32>
    %reduce_min3A_671 = tpu.scan <min>, %reduce_min3A_670 masked %reduce_min3A_667 : vector<16xi32>, vector<16xi1> -> vector<16xi32>
    %reduce_min3A_672 = arith.xori %reduce_min3A_671, %reduce_min3A_669 : vector<16xi32>
    %reduce_min3A_673 = vector.extract %reduce_min3A_672[15] : i32 from vector<16xi32>
    %eq3A_674 = vector.broadcast %reduce_min3A_673 : i32 to vector<16xi32>
    %eq3A_675 = arith.cmpi eq, %iota3A, %eq3A_674 : vector<16xi32>
    %jit3A_676 = arith.constant -3.000000e+38 : f32
    %broadcast_in_dim3A_677 = vector.broadcast %jit3A_676 : f32 to vector<16xf32>
    %select_n3A_678 = arith.select %eq3A_675, %broadcast_in_dim3A_677, %add3A_656 : vector<16xi1>, vector<16xf32>
    %reduce_max3A_679 = arith.constant true
    %reduce_max3A_680 = vector.broadcast %reduce_max3A_679 : i1 to vector<16xi1>
    %reduce_max3A_681 = tpu.scan <max>, %select_n3A_678 masked %reduce_max3A_680 : vector<16xf32>, vector<16xi1> -> vector<16xf32>
    %reduce_max3A_682 = vector.extract %reduce_max3A_681[15] : f32 from vector<16xf32>
    %eq3A_683 = vector.broadcast %reduce_max3A_682 : f32 to vector<16xf32>
    %eq3A_684 = arith.cmpf oeq, %select_n3A_678, %eq3A_683 : vector<16xf32>
    %jit3A_685 = arith.constant 16 : i32
    %broadcast_in_dim3A_686 = vector.broadcast %jit3A_685 : i32 to vector<16xi32>
    %select_n3A_687 = arith.select %eq3A_684, %iota3A, %broadcast_in_dim3A_686 : vector<16xi1>, vector<16xi32>
    %reduce_min3A_688 = arith.constant true
    %reduce_min3A_689 = vector.broadcast %reduce_min3A_688 : i1 to vector<16xi1>
    %reduce_min3A_690 = arith.constant -2147483648 : i32
    %reduce_min3A_691 = vector.broadcast %reduce_min3A_690 : i32 to vector<16xi32>
    %reduce_min3A_692 = arith.xori %select_n3A_687, %reduce_min3A_691 : vector<16xi32>
    %reduce_min3A_693 = tpu.scan <min>, %reduce_min3A_692 masked %reduce_min3A_689 : vector<16xi32>, vector<16xi1> -> vector<16xi32>
    %reduce_min3A_694 = arith.xori %reduce_min3A_693, %reduce_min3A_691 : vector<16xi32>
    %reduce_min3A_695 = vector.extract %reduce_min3A_694[15] : i32 from vector<16xi32>
    %sub3A_696 = arith.subf %reduce_max3A_682, %reduce_max3A_660 : f32
    %broadcast_in_dim3A_697 = vector.broadcast %sub3A_696 : f32 to vector<16xf32>
    %exp3A_698 = math.exp %broadcast_in_dim3A_697 : vector<16xf32>
    %add3A_699 = arith.constant 1.000000e+00 : f32
    %add3A_700 = vector.broadcast %add3A_699 : f32 to vector<16xf32>
    %add3A_701 = arith.addf %add3A_700, %exp3A_698 : vector<16xf32>
    %div3A_702 = arith.constant 1.000000e+00 : f32
    %div3A_703 = vector.broadcast %div3A_702 : f32 to vector<16xf32>
    %div3A_704 = arith.divf %div3A_703, %add3A_701 : vector<16xf32>
    %add3A_705 = arith.constant 1.000000e+00 : f32
    %add3A_706 = vector.broadcast %add3A_705 : f32 to vector<16xf32>
    %add3A_707 = arith.addf %add3A_706, %exp3A_698 : vector<16xf32>
    %div3A_708 = arith.divf %exp3A_698, %add3A_707 : vector<16xf32>
    %eq3A_709 = arith.constant 2 : i32
    %eq3A_710 = vector.broadcast %eq3A_709 : i32 to vector<16xi32>
    %eq3A_711 = arith.cmpi eq, %iota3A, %eq3A_710 : vector<16xi32>
    %select_n3A_712 = arith.select %eq3A_711, %div3A_704, %select_n3A_645 : vector<16xi1>, vector<16xf32>
    %eq3A_713 = arith.constant 3 : i32
    %eq3A_714 = vector.broadcast %eq3A_713 : i32 to vector<16xi32>
    %eq3A_715 = arith.cmpi eq, %iota3A, %eq3A_714 : vector<16xi32>
    %select_n3A_716 = arith.select %eq3A_715, %div3A_708, %select_n3A_712 : vector<16xi1>, vector<16xf32>
    %eq3A_717 = arith.constant 2 : i32
    %eq3A_718 = vector.broadcast %eq3A_717 : i32 to vector<16xi32>
    %eq3A_719 = arith.cmpi eq, %iota3A, %eq3A_718 : vector<16xi32>
    %broadcast_in_dim3A_720 = vector.broadcast %reduce_min3A_673 : i32 to vector<16xi32>
    %select_n3A_721 = arith.select %eq3A_719, %broadcast_in_dim3A_720, %select_n3A_655 : vector<16xi1>, vector<16xi32>
    %eq3A_722 = arith.constant 3 : i32
    %eq3A_723 = vector.broadcast %eq3A_722 : i32 to vector<16xi32>
    %eq3A_724 = arith.cmpi eq, %iota3A, %eq3A_723 : vector<16xi32>
    %broadcast_in_dim3A_725 = vector.broadcast %reduce_min3A_695 : i32 to vector<16xi32>
    %select_n3A_726 = arith.select %eq3A_724, %broadcast_in_dim3A_725, %select_n3A_721 : vector<16xi1>, vector<16xi32>
    %add3A_727 = arith.addf %select_n3A_579, %get3A_3 : vector<16xf32>
    %reduce_max3A_728 = arith.constant true
    %reduce_max3A_729 = vector.broadcast %reduce_max3A_728 : i1 to vector<16xi1>
    %reduce_max3A_730 = tpu.scan <max>, %add3A_727 masked %reduce_max3A_729 : vector<16xf32>, vector<16xi1> -> vector<16xf32>
    %reduce_max3A_731 = vector.extract %reduce_max3A_730[15] : f32 from vector<16xf32>
    %eq3A_732 = vector.broadcast %reduce_max3A_731 : f32 to vector<16xf32>
    %eq3A_733 = arith.cmpf oeq, %add3A_727, %eq3A_732 : vector<16xf32>
    %jit3A_734 = arith.constant 16 : i32
    %broadcast_in_dim3A_735 = vector.broadcast %jit3A_734 : i32 to vector<16xi32>
    %select_n3A_736 = arith.select %eq3A_733, %iota3A, %broadcast_in_dim3A_735 : vector<16xi1>, vector<16xi32>
    %reduce_min3A_737 = arith.constant true
    %reduce_min3A_738 = vector.broadcast %reduce_min3A_737 : i1 to vector<16xi1>
    %reduce_min3A_739 = arith.constant -2147483648 : i32
    %reduce_min3A_740 = vector.broadcast %reduce_min3A_739 : i32 to vector<16xi32>
    %reduce_min3A_741 = arith.xori %select_n3A_736, %reduce_min3A_740 : vector<16xi32>
    %reduce_min3A_742 = tpu.scan <min>, %reduce_min3A_741 masked %reduce_min3A_738 : vector<16xi32>, vector<16xi1> -> vector<16xi32>
    %reduce_min3A_743 = arith.xori %reduce_min3A_742, %reduce_min3A_740 : vector<16xi32>
    %reduce_min3A_744 = vector.extract %reduce_min3A_743[15] : i32 from vector<16xi32>
    %eq3A_745 = vector.broadcast %reduce_min3A_744 : i32 to vector<16xi32>
    %eq3A_746 = arith.cmpi eq, %iota3A, %eq3A_745 : vector<16xi32>
    %jit3A_747 = arith.constant -3.000000e+38 : f32
    %broadcast_in_dim3A_748 = vector.broadcast %jit3A_747 : f32 to vector<16xf32>
    %select_n3A_749 = arith.select %eq3A_746, %broadcast_in_dim3A_748, %add3A_727 : vector<16xi1>, vector<16xf32>
    %reduce_max3A_750 = arith.constant true
    %reduce_max3A_751 = vector.broadcast %reduce_max3A_750 : i1 to vector<16xi1>
    %reduce_max3A_752 = tpu.scan <max>, %select_n3A_749 masked %reduce_max3A_751 : vector<16xf32>, vector<16xi1> -> vector<16xf32>
    %reduce_max3A_753 = vector.extract %reduce_max3A_752[15] : f32 from vector<16xf32>
    %eq3A_754 = vector.broadcast %reduce_max3A_753 : f32 to vector<16xf32>
    %eq3A_755 = arith.cmpf oeq, %select_n3A_749, %eq3A_754 : vector<16xf32>
    %jit3A_756 = arith.constant 16 : i32
    %broadcast_in_dim3A_757 = vector.broadcast %jit3A_756 : i32 to vector<16xi32>
    %select_n3A_758 = arith.select %eq3A_755, %iota3A, %broadcast_in_dim3A_757 : vector<16xi1>, vector<16xi32>
    %reduce_min3A_759 = arith.constant true
    %reduce_min3A_760 = vector.broadcast %reduce_min3A_759 : i1 to vector<16xi1>
    %reduce_min3A_761 = arith.constant -2147483648 : i32
    %reduce_min3A_762 = vector.broadcast %reduce_min3A_761 : i32 to vector<16xi32>
    %reduce_min3A_763 = arith.xori %select_n3A_758, %reduce_min3A_762 : vector<16xi32>
    %reduce_min3A_764 = tpu.scan <min>, %reduce_min3A_763 masked %reduce_min3A_760 : vector<16xi32>, vector<16xi1> -> vector<16xi32>
    %reduce_min3A_765 = arith.xori %reduce_min3A_764, %reduce_min3A_762 : vector<16xi32>
    %reduce_min3A_766 = vector.extract %reduce_min3A_765[15] : i32 from vector<16xi32>
    %sub3A_767 = arith.subf %reduce_max3A_753, %reduce_max3A_731 : f32
    %broadcast_in_dim3A_768 = vector.broadcast %sub3A_767 : f32 to vector<16xf32>
    %exp3A_769 = math.exp %broadcast_in_dim3A_768 : vector<16xf32>
    %add3A_770 = arith.constant 1.000000e+00 : f32
    %add3A_771 = vector.broadcast %add3A_770 : f32 to vector<16xf32>
    %add3A_772 = arith.addf %add3A_771, %exp3A_769 : vector<16xf32>
    %div3A_773 = arith.constant 1.000000e+00 : f32
    %div3A_774 = vector.broadcast %div3A_773 : f32 to vector<16xf32>
    %div3A_775 = arith.divf %div3A_774, %add3A_772 : vector<16xf32>
    %add3A_776 = arith.constant 1.000000e+00 : f32
    %add3A_777 = vector.broadcast %add3A_776 : f32 to vector<16xf32>
    %add3A_778 = arith.addf %add3A_777, %exp3A_769 : vector<16xf32>
    %div3A_779 = arith.divf %exp3A_769, %add3A_778 : vector<16xf32>
    %eq3A_780 = arith.constant 4 : i32
    %eq3A_781 = vector.broadcast %eq3A_780 : i32 to vector<16xi32>
    %eq3A_782 = arith.cmpi eq, %iota3A, %eq3A_781 : vector<16xi32>
    %select_n3A_783 = arith.select %eq3A_782, %div3A_775, %select_n3A_716 : vector<16xi1>, vector<16xf32>
    %eq3A_784 = arith.constant 5 : i32
    %eq3A_785 = vector.broadcast %eq3A_784 : i32 to vector<16xi32>
    %eq3A_786 = arith.cmpi eq, %iota3A, %eq3A_785 : vector<16xi32>
    %select_n3A_787 = arith.select %eq3A_786, %div3A_779, %select_n3A_783 : vector<16xi1>, vector<16xf32>
    %eq3A_788 = arith.constant 4 : i32
    %eq3A_789 = vector.broadcast %eq3A_788 : i32 to vector<16xi32>
    %eq3A_790 = arith.cmpi eq, %iota3A, %eq3A_789 : vector<16xi32>
    %broadcast_in_dim3A_791 = vector.broadcast %reduce_min3A_744 : i32 to vector<16xi32>
    %select_n3A_792 = arith.select %eq3A_790, %broadcast_in_dim3A_791, %select_n3A_726 : vector<16xi1>, vector<16xi32>
    %eq3A_793 = arith.constant 5 : i32
    %eq3A_794 = vector.broadcast %eq3A_793 : i32 to vector<16xi32>
    %eq3A_795 = arith.cmpi eq, %iota3A, %eq3A_794 : vector<16xi32>
    %broadcast_in_dim3A_796 = vector.broadcast %reduce_min3A_766 : i32 to vector<16xi32>
    %select_n3A_797 = arith.select %eq3A_795, %broadcast_in_dim3A_796, %select_n3A_792 : vector<16xi1>, vector<16xi32>
    %add3A_798 = arith.addf %select_n3A_588, %get3A_3 : vector<16xf32>
    %reduce_max3A_799 = arith.constant true
    %reduce_max3A_800 = vector.broadcast %reduce_max3A_799 : i1 to vector<16xi1>
    %reduce_max3A_801 = tpu.scan <max>, %add3A_798 masked %reduce_max3A_800 : vector<16xf32>, vector<16xi1> -> vector<16xf32>
    %reduce_max3A_802 = vector.extract %reduce_max3A_801[15] : f32 from vector<16xf32>
    %eq3A_803 = vector.broadcast %reduce_max3A_802 : f32 to vector<16xf32>
    %eq3A_804 = arith.cmpf oeq, %add3A_798, %eq3A_803 : vector<16xf32>
    %jit3A_805 = arith.constant 16 : i32
    %broadcast_in_dim3A_806 = vector.broadcast %jit3A_805 : i32 to vector<16xi32>
    %select_n3A_807 = arith.select %eq3A_804, %iota3A, %broadcast_in_dim3A_806 : vector<16xi1>, vector<16xi32>
    %reduce_min3A_808 = arith.constant true
    %reduce_min3A_809 = vector.broadcast %reduce_min3A_808 : i1 to vector<16xi1>
    %reduce_min3A_810 = arith.constant -2147483648 : i32
    %reduce_min3A_811 = vector.broadcast %reduce_min3A_810 : i32 to vector<16xi32>
    %reduce_min3A_812 = arith.xori %select_n3A_807, %reduce_min3A_811 : vector<16xi32>
    %reduce_min3A_813 = tpu.scan <min>, %reduce_min3A_812 masked %reduce_min3A_809 : vector<16xi32>, vector<16xi1> -> vector<16xi32>
    %reduce_min3A_814 = arith.xori %reduce_min3A_813, %reduce_min3A_811 : vector<16xi32>
    %reduce_min3A_815 = vector.extract %reduce_min3A_814[15] : i32 from vector<16xi32>
    %eq3A_816 = vector.broadcast %reduce_min3A_815 : i32 to vector<16xi32>
    %eq3A_817 = arith.cmpi eq, %iota3A, %eq3A_816 : vector<16xi32>
    %jit3A_818 = arith.constant -3.000000e+38 : f32
    %broadcast_in_dim3A_819 = vector.broadcast %jit3A_818 : f32 to vector<16xf32>
    %select_n3A_820 = arith.select %eq3A_817, %broadcast_in_dim3A_819, %add3A_798 : vector<16xi1>, vector<16xf32>
    %reduce_max3A_821 = arith.constant true
    %reduce_max3A_822 = vector.broadcast %reduce_max3A_821 : i1 to vector<16xi1>
    %reduce_max3A_823 = tpu.scan <max>, %select_n3A_820 masked %reduce_max3A_822 : vector<16xf32>, vector<16xi1> -> vector<16xf32>
    %reduce_max3A_824 = vector.extract %reduce_max3A_823[15] : f32 from vector<16xf32>
    %eq3A_825 = vector.broadcast %reduce_max3A_824 : f32 to vector<16xf32>
    %eq3A_826 = arith.cmpf oeq, %select_n3A_820, %eq3A_825 : vector<16xf32>
    %jit3A_827 = arith.constant 16 : i32
    %broadcast_in_dim3A_828 = vector.broadcast %jit3A_827 : i32 to vector<16xi32>
    %select_n3A_829 = arith.select %eq3A_826, %iota3A, %broadcast_in_dim3A_828 : vector<16xi1>, vector<16xi32>
    %reduce_min3A_830 = arith.constant true
    %reduce_min3A_831 = vector.broadcast %reduce_min3A_830 : i1 to vector<16xi1>
    %reduce_min3A_832 = arith.constant -2147483648 : i32
    %reduce_min3A_833 = vector.broadcast %reduce_min3A_832 : i32 to vector<16xi32>
    %reduce_min3A_834 = arith.xori %select_n3A_829, %reduce_min3A_833 : vector<16xi32>
    %reduce_min3A_835 = tpu.scan <min>, %reduce_min3A_834 masked %reduce_min3A_831 : vector<16xi32>, vector<16xi1> -> vector<16xi32>
    %reduce_min3A_836 = arith.xori %reduce_min3A_835, %reduce_min3A_833 : vector<16xi32>
    %reduce_min3A_837 = vector.extract %reduce_min3A_836[15] : i32 from vector<16xi32>
    %sub3A_838 = arith.subf %reduce_max3A_824, %reduce_max3A_802 : f32
    %broadcast_in_dim3A_839 = vector.broadcast %sub3A_838 : f32 to vector<16xf32>
    %exp3A_840 = math.exp %broadcast_in_dim3A_839 : vector<16xf32>
    %add3A_841 = arith.constant 1.000000e+00 : f32
    %add3A_842 = vector.broadcast %add3A_841 : f32 to vector<16xf32>
    %add3A_843 = arith.addf %add3A_842, %exp3A_840 : vector<16xf32>
    %div3A_844 = arith.constant 1.000000e+00 : f32
    %div3A_845 = vector.broadcast %div3A_844 : f32 to vector<16xf32>
    %div3A_846 = arith.divf %div3A_845, %add3A_843 : vector<16xf32>
    %add3A_847 = arith.constant 1.000000e+00 : f32
    %add3A_848 = vector.broadcast %add3A_847 : f32 to vector<16xf32>
    %add3A_849 = arith.addf %add3A_848, %exp3A_840 : vector<16xf32>
    %div3A_850 = arith.divf %exp3A_840, %add3A_849 : vector<16xf32>
    %eq3A_851 = arith.constant 6 : i32
    %eq3A_852 = vector.broadcast %eq3A_851 : i32 to vector<16xi32>
    %eq3A_853 = arith.cmpi eq, %iota3A, %eq3A_852 : vector<16xi32>
    %select_n3A_854 = arith.select %eq3A_853, %div3A_846, %select_n3A_787 : vector<16xi1>, vector<16xf32>
    %eq3A_855 = arith.constant 7 : i32
    %eq3A_856 = vector.broadcast %eq3A_855 : i32 to vector<16xi32>
    %eq3A_857 = arith.cmpi eq, %iota3A, %eq3A_856 : vector<16xi32>
    %select_n3A_858 = arith.select %eq3A_857, %div3A_850, %select_n3A_854 : vector<16xi1>, vector<16xf32>
    %eq3A_859 = arith.constant 6 : i32
    %eq3A_860 = vector.broadcast %eq3A_859 : i32 to vector<16xi32>
    %eq3A_861 = arith.cmpi eq, %iota3A, %eq3A_860 : vector<16xi32>
    %broadcast_in_dim3A_862 = vector.broadcast %reduce_min3A_815 : i32 to vector<16xi32>
    %select_n3A_863 = arith.select %eq3A_861, %broadcast_in_dim3A_862, %select_n3A_797 : vector<16xi1>, vector<16xi32>
    %eq3A_864 = arith.constant 7 : i32
    %eq3A_865 = vector.broadcast %eq3A_864 : i32 to vector<16xi32>
    %eq3A_866 = arith.cmpi eq, %iota3A, %eq3A_865 : vector<16xi32>
    %broadcast_in_dim3A_867 = vector.broadcast %reduce_min3A_837 : i32 to vector<16xi32>
    %select_n3A_868 = arith.select %eq3A_866, %broadcast_in_dim3A_867, %select_n3A_863 : vector<16xi1>, vector<16xi32>
    %swap3A = arith.constant 0 : index
    %swap3A_869 = tpu.vector_load %arg9[%swap3A] {strides = array<i32>} : memref<16xf32, #tpu.memory_space<vmem>>, vector<16xf32>,
    tpu.vector_store %arg9[%swap3A], %select_n3A_858 {strides = array<i32>} : memref<16xf32, #tpu.memory_space<vmem>>, vector<16xf32>,
    %swap3A_870 = arith.constant 0 : index
    %swap3A_871 = tpu.vector_load %arg10[%swap3A_870] {strides = array<i32>} : memref<16xi32, #tpu.memory_space<vmem>>, vector<16xi32>,
    tpu.vector_store %arg10[%swap3A_870], %select_n3A_868 {strides = array<i32>} : memref<16xi32, #tpu.memory_space<vmem>>, vector<16xi32>,
    %mul3A_872 = arith.constant 2 : i32
    %mul3A_873 = arith.muli %mul3A_872, %mul3A_2 : i32
    "tpu.region"() ({
      %run_scoped3A = tpu.sem_alloc : memref<!tpu.dma_semaphore, #tpu.memory_space<semaphore_mem>>
      %dma_start3A = arith.constant 0 : i32
      %dma_start3A_876 = tpu.memref_slice %arg9[%dma_start3A] : memref<16xf32, #tpu.memory_space<vmem>> -> memref<8xf32, #tpu.memory_space<vmem>>
      %dma_start3A_877 = tpu.memref_slice %arg4[%mul3A_873] : memref<256xf32, #tpu.memory_space<hbm>> -> memref<8xf32, #tpu.memory_space<hbm>>
      %dma_start3A_878 = tpu.memref_slice %arg4[%mul3A_873] : memref<256xf32, #tpu.memory_space<hbm>> -> memref<8xf32, #tpu.memory_space<hbm>>
      %dma_start3A_879 = arith.constant 0 : i32
      %dma_start3A_880 = tpu.memref_slice %arg9[%dma_start3A_879] : memref<16xf32, #tpu.memory_space<vmem>> -> memref<8xf32, #tpu.memory_space<vmem>>
      tpu.enqueue_dma source(%dma_start3A_880 : memref<8xf32, #tpu.memory_space<vmem>>) target(%dma_start3A_878 : memref<8xf32, #tpu.memory_space<hbm>>) target_semaphore(%run_scoped3A : memref<!tpu.dma_semaphore, #tpu.memory_space<semaphore_mem>>)
      %dma_wait3A = arith.constant 0 : i32
      %dma_wait3A_881 = tpu.memref_slice %arg9[%dma_wait3A] : memref<16xf32, #tpu.memory_space<vmem>> -> memref<8xf32, #tpu.memory_space<vmem>>
      %dma_wait3A_882 = tpu.memref_slice %arg4[%mul3A_873] : memref<256xf32, #tpu.memory_space<hbm>> -> memref<8xf32, #tpu.memory_space<hbm>>
      %dma_wait3A_883 = tpu.memref_slice %arg4[%mul3A_873] : memref<256xf32, #tpu.memory_space<hbm>> -> memref<8xf32, #tpu.memory_space<hbm>>
      %dma_wait3A_884 = arith.constant 0 : i32
      %dma_wait3A_885 = tpu.memref_slice %arg9[%dma_wait3A_884] : memref<16xf32, #tpu.memory_space<vmem>> -> memref<8xf32, #tpu.memory_space<vmem>>
      tpu.wait_dma2 semaphore(%run_scoped3A : memref<!tpu.dma_semaphore, #tpu.memory_space<semaphore_mem>>) src(%dma_wait3A_885 : memref<8xf32, #tpu.memory_space<vmem>>) dst(%dma_wait3A_883 : memref<8xf32, #tpu.memory_space<hbm>>)
      tpu.yield
    }) : () -> ()
    %mul3A_874 = arith.constant 2 : i32
    %mul3A_875 = arith.muli %mul3A_874, %mul3A_2 : i32
    "tpu.region"() ({
      %run_scoped3A = tpu.sem_alloc : memref<!tpu.dma_semaphore, #tpu.memory_space<semaphore_mem>>
      %dma_start3A = arith.constant 0 : i32
      %dma_start3A_876 = tpu.memref_slice %arg10[%dma_start3A] : memref<16xi32, #tpu.memory_space<vmem>> -> memref<8xi32, #tpu.memory_space<vmem>>
      %dma_start3A_877 = tpu.memref_slice %arg5[%mul3A_875] : memref<256xi32, #tpu.memory_space<hbm>> -> memref<8xi32, #tpu.memory_space<hbm>>
      %dma_start3A_878 = tpu.memref_slice %arg5[%mul3A_875] : memref<256xi32, #tpu.memory_space<hbm>> -> memref<8xi32, #tpu.memory_space<hbm>>
      %dma_start3A_879 = arith.constant 0 : i32
      %dma_start3A_880 = tpu.memref_slice %arg10[%dma_start3A_879] : memref<16xi32, #tpu.memory_space<vmem>> -> memref<8xi32, #tpu.memory_space<vmem>>
      tpu.enqueue_dma source(%dma_start3A_880 : memref<8xi32, #tpu.memory_space<vmem>>) target(%dma_start3A_878 : memref<8xi32, #tpu.memory_space<hbm>>) target_semaphore(%run_scoped3A : memref<!tpu.dma_semaphore, #tpu.memory_space<semaphore_mem>>)
      %dma_wait3A = arith.constant 0 : i32
      %dma_wait3A_881 = tpu.memref_slice %arg10[%dma_wait3A] : memref<16xi32, #tpu.memory_space<vmem>> -> memref<8xi32, #tpu.memory_space<vmem>>
      %dma_wait3A_882 = tpu.memref_slice %arg5[%mul3A_875] : memref<256xi32, #tpu.memory_space<hbm>> -> memref<8xi32, #tpu.memory_space<hbm>>
      %dma_wait3A_883 = tpu.memref_slice %arg5[%mul3A_875] : memref<256xi32, #tpu.memory_space<hbm>> -> memref<8xi32, #tpu.memory_space<hbm>>
      %dma_wait3A_884 = arith.constant 0 : i32
      %dma_wait3A_885 = tpu.memref_slice %arg10[%dma_wait3A_884] : memref<16xi32, #tpu.memory_space<vmem>> -> memref<8xi32, #tpu.memory_space<vmem>>
      tpu.wait_dma2 semaphore(%run_scoped3A : memref<!tpu.dma_semaphore, #tpu.memory_space<semaphore_mem>>) src(%dma_wait3A_885 : memref<8xi32, #tpu.memory_space<vmem>>) dst(%dma_wait3A_883 : memref<8xi32, #tpu.memory_space<hbm>>)
      tpu.yield
    }) : () -> ()
    return
  }
}

</mosaic_0001>

<sc_bundles>
// kernel: kernel.3.cloned.1.call-start
scs
__scs_entry_jumppad:
0x0: {  	(pc) =	sbr.rel $0x88, $3  }
0x1: {  	(tag) =	ssettag $0x0;
	lr =	simm.s32 $0x1  }
0x2: {  	[smem:$0x3F9E] =	sst lr;
	_ =	strace $0xD0000000  }
0x3: {  	_ = 	snop  }
0x4: {  	_ = 	snop  }
0x5: {  	_ = 	snop  }
0x6: {  	_ = 	snop  }
0x7: {  	_ = 	snop  }
__scs_overlays_trampoline_lowered:
0x8: {  	[smem:$0x3FAD] =	sst s0  }
0x9: {  	[smem:$0x3FAE] =	sst s1  }
0xa: {  	[smem:$0x3FAF] =	sst s2  }
0xb: {  	[smem:$0x3FB0] =	sst s3  }
0xc: {  	[smem:$0x3FB1] =	sst s4  }
0xd: {  	[smem:$0x3FB2] =	sst s5  }
0xe: {  	[smem:$0x3FB3] =	sst s6  }
0xf: {  	[smem:$0x3FB4] =	sst s7  }
0x10: {  	[smem:$0x3FB5] =	sst s8  }
0x11: {  	[smem:$0x3FB6] =	sst s9;
	s0 =	simm.s32 @!p0 $0x0  }
0x12: {  	s1 =	sld [smem:$0x3F9C];
	s0 =	simm.s32 @p0 $0x1  }
0x13: {  	[smem:$0x3FB7] =	sst s0;
	s0 =	simm.s32 @!p1 $0x0  }
0x14: {  	s2 =	sld [smem:$0x3F9B];
	s0 =	simm.s32 @p1 $0x1  }
0x15: {  	[smem:$0x3FB8] =	sst s0;
	s0 =	simm.s32 @!p2 $0x0  }
0x16: {  	s3 =	sld [smem:$0x3FDB];
	s0 =	simm.s32 @p2 $0x1  }
0x17: {  	s4 =	simm.s32 $0x1BF5;
	[smem:$0x3FBA] =	sst s0  }
0x18: {  	s0 =	sld [smem:$0x3F9D];
	_ =	swait.ge [sflag:s4], $0x0  }
0x19: {  	s7 =	sld [smem:$0x3F9E]  }
0x1a: {  	s8 =	sadd.s32 $0xFFFFE003, lr  }
0x1b: {  	s9 =	sadd.s32 $0xFFFFFEF7, lr;
	s5 =	simm.s32 $0xFFFFFFFF;
	p2 =	slt.u32 s8, $0xFFFFF086  }
0x1c: {  	p1 =	slt.u32 s9, $0xF7A;
	s5 =	simm.s32 @!p2 $0x0  }
0x1d: {  	s5 =	simm.s32 @p1 $0x1;
	p0 =	seq.s32 s7, s2  }
0x1e: {  	s7 =	smul.u32 @!p0 $0xF7A, s2;
	p2 =	seq.s32 @!p0 s5, $0x0  }
0x1f: {  	s9 =	smul.u32 $0xF7A, s1;
	s8 =	simm.s32 @!p0 $0x1BF5;
	p2 =	por !p2, p0  }
0x20: {  	[sflag:s8] =	ssyncset.s32 @!p0 $0xFFFFF086;
	s6 =	sadd.s32 @!p0 s3, s7;
	s7 =	simm.s32 @!p0 $0x108  }
0x21: {  	s3 =	sadd.s32 s3, s9;
	s6 =	sadd.s32 @!p0 $0x88, s6;
	s7 =	simm.s32 @p2 $0x1082  }
0x22: {  	[simem:s7], [sflag:s8] =	dma.local @!p0 [hbm:s6], $0xF7A  }
0x23: {  	s9 =	sor.u32 $0xD0000000, s2;
	s6 =	simm.s32 $0x108;
	_ =	swait.ge @!p0 [sflag:s8], $0x0  }
0x24: {  	s3 =	sadd.s32 $0x88, s3;
	s6 =	simm.s32 @!p1 $0x1082;
	[sflag:s4] =	ssyncset.s32 $0xFFFFF086  }
0x25: {  	[simem:s6], [sflag:s4] =	dma.local [hbm:s3], $0xF7A  }
0x26: {  	[smem:$0x3F9E] =	sst s1;
	(tag) =	ssettag s2;
	_ =	strace s9  }
0x27: {  	s1 =	sld [smem:$0x3FAE]  }
0x28: {  	s2 =	sld [smem:$0x3FAF]  }
0x29: {  	s4 =	sld [smem:$0x3FB1]  }
0x2a: {  	p0 =	seq.s32 s5, $0x0;
	s5 =	sld [smem:$0x3FB2]  }
0x2b: {  	s6 =	sld [smem:$0x3FB3]  }
0x2c: {  	s7 =	sld [smem:$0x3FB4]  }
0x2d: {  	s3 =	simm.s32 $0x108;
	s8 =	sld [smem:$0x3FB5]  }
0x2e: {  	s3 =	simm.s32 @!p0 $0x1082;
	s9 =	sld [smem:$0x3FB6]  }
0x2f: {  	lr =	sadd.s32 s0, s3;
	s0 =	sld [smem:$0x3FAD]  }
0x30: {  	s3 =	sld [smem:$0x3FB0]  }
0x31: {  	[smem:$0x3FB9] =	sst s10  }
0x32: {  	s10 =	sld [smem:$0x3FB7];
	_ =	sdelay $0x3  }
0x33: {  	p0 =	seq.s32 s10, $0x1;
	s10 =	sld [smem:$0x3FB9];
	_ =	sdelay $0x3  }
0x34: {  	[smem:$0x3FB9] =	sst s10  }
0x35: {  	s10 =	sld [smem:$0x3FB8];
	_ =	sdelay $0x3  }
0x36: {  	p1 =	seq.s32 s10, $0x1;
	s10 =	sld [smem:$0x3FB9];
	_ =	sdelay $0x3  }
0x37: {  	[smem:$0x3FB9] =	sst s10  }
0x38: {  	s10 =	sld [smem:$0x3FBA]  }
0x39: {  	_ = 	snop;
	(pc) =	sbr.ind lr, $3  }
0x3a: {  	_ = 	snop  }
0x3b: {  	_ = 	snop  }
0x3c: {  	p2 =	seq.s32 s10, $0x1;
	s10 =	sld [smem:$0x3FB9]  }
0x3d: {  	_ =	shalt  }
0x3e: {  	_ =	shalt  }
0x3f: {  	_ =	shalt  }
0x40: {  	_ =	shalt  }
0x41: {  	_ =	shalt  }
0x42: {  	_ =	shalt  }
0x43: {  	_ =	shalt  }
0x44: {  	_ =	shalt  }
0x45: {  	_ =	shalt  }
0x46: {  	_ =	shalt  }
0x47: {  	_ =	shalt  }
0x48: {  	_ =	shalt  }
0x49: {  	_ =	shalt  }
0x4a: {  	_ =	shalt  }
0x4b: {  	_ =	shalt  }
0x4c: {  	_ =	shalt  }
0x4d: {  	_ =	shalt  }
0x4e: {  	_ =	shalt  }
0x4f: {  	_ =	shalt  }
0x50: {  	_ =	shalt  }
0x51: {  	_ =	shalt  }
0x52: {  	_ =	shalt  }
0x53: {  	_ =	shalt  }
0x54: {  	_ =	shalt  }
0x55: {  	_ =	shalt  }
0x56: {  	_ =	shalt  }
0x57: {  	_ =	shalt  }
0x58: {  	_ =	shalt  }
0x59: {  	_ =	shalt  }
0x5a: {  	_ =	shalt  }
0x5b: {  	_ =	shalt  }
0x5c: {  	_ =	shalt  }
0x5d: {  	_ =	shalt  }
0x5e: {  	_ =	shalt  }
0x5f: {  	_ =	shalt  }
0x60: {  	_ =	shalt  }
0x61: {  	_ =	shalt  }
0x62: {  	_ =	shalt  }
0x63: {  	_ =	shalt  }
0x64: {  	_ =	shalt  }
0x65: {  	_ =	shalt  }
0x66: {  	_ =	shalt  }
0x67: {  	_ =	shalt  }
0x68: {  	_ =	shalt  }
0x69: {  	_ =	shalt  }
0x6a: {  	_ =	shalt  }
0x6b: {  	_ =	shalt  }
0x6c: {  	_ =	shalt  }
0x6d: {  	_ =	shalt  }
0x6e: {  	_ =	shalt  }
0x6f: {  	_ =	shalt  }
0x70: {  	_ =	shalt  }
0x71: {  	_ =	shalt  }
0x72: {  	_ =	shalt  }
0x73: {  	_ =	shalt  }
0x74: {  	_ =	shalt  }
0x75: {  	_ =	shalt  }
0x76: {  	_ =	shalt  }
0x77: {  	_ =	shalt  }
0x78: {  	_ =	shalt  }
0x79: {  	_ =	shalt  }
0x7a: {  	_ =	shalt  }
0x7b: {  	_ =	shalt  }
0x7c: {  	_ =	shalt  }
0x7d: {  	_ =	shalt  }
0x7e: {  	_ =	shalt  }
0x7f: {  	_ =	shalt  }
0x80: {  	_ =	shalt  }
0x81: {  	_ =	shalt  }
0x82: {  	_ =	shalt  }
0x83: {  	_ =	shalt  }
0x84: {  	_ =	shalt  }
0x85: {  	_ =	shalt  }
0x86: {  	_ =	shalt  }
0x87: {  	_ =	shalt  }
.Lfunc_end0:
.L_simem_size_0:
called_computation_lowered:
.L_overlay_start_0:
0x88: {  	s2 =	sld [smem:$0x3FD9]  }
0x89: {  	s3 =	sld [smem:$0x3FFE];
	_ =	sdelay $0x1  }
0x8a: {  	s1 =	srdreg.scid  }
0x8b: {  	s0 =	sand.u32 $0x1, s1  }
0x8c: {  	s14 =	sshll.u32 s0, $0xA;
	s2 =	sadd.s32 s3, s2  }
0x8d: {  	s2 =	sadd.s32 s2, s14  }
0x8e: {  	[smem:$0x3FC5] =	sst s2  }
0x8f: {  	_ = 	snop  }
0x90: {  	s2 =	sld [smem:$0x3FD0];
	_ =	sdelay $0x2  }
0x91: {  	s4 =	simm.s32 $0xA;
	s5 =	simm.s32 $0x10;
	s15 =	sld [smem:$0x3FC7]  }
0x92: {  	[smem:s5], [sflag:s4] =	dma.local [hbm:s2], $0x1  }
0x93: {  	_ =	swait.eq [sflag:s4], $0x1  }
0x94: {  	[sflag:s4] =	ssyncset.done $0x0  }
0x95: {  	[sflag:s4] =	ssyncadd.s32 $0xFFFFFFFF  }
0x96: {  	s16 =	sld [smem:$0x11];
	(tm) =	ssettm $0x1  }
0x97: {  	s17 =	sld [smem:$0x3FFB];
	_ =	sdelay $0x3  }
0x98: {  	_ =	strace s17  }
0x99: {  	s4 =	sld [smem:$0x3FFC];
	_ =	sdelay $0x3  }
0x9a: {  	_ =	strace s4  }
0x9b: {  	s4 =	sld [smem:$0x3FFD];
	_ =	sdelay $0x3  }
0x9c: {  	_ =	strace s4  }
0x9d: {  	_ =	strace $0x8FFFFFFF  }
0x9e: {  	s18 =	sld [smem:$0x3FDB];
	_ =	sdelay $0x1  }
0x9f: {  	s19 =	simm.s32 $_scs_section_size  }
0xa0: {  	s6 =	simm.s32 $_size__tile_overlayer_lowered;
	s7 =	simm.s32 $_tile_overlayer_lowered  }
0xa1: {  	s22 =	simm.s32 $0x1BFF;
	s21 =	sshll.u32 s7, $0x1;
	s4 =	sadd.s32 s19, s18  }
0xa2: {  	s8 =	simm.s32 $0x0;
	s20 =	sshll.u32 s6, $0x1;
	s6 =	sadd.s32 s21, s4  }
0xa3: {  	[timem:s8], [sflag:s22] =	dma.local [hbm:s6], s20  }
0xa4: {  	_ =	swait.ge [sflag:s22], s20  }
0xa5: {  	s5 =	ssub.s32 $0x0, s20;
	[sflag:s22] =	ssyncset.done $0x0  }
0xa6: {  	[sflag:s22] =	ssyncadd.s32 s5;
	_ =	sdelay $0x1  }
0xa7: {  	s23 =	simm.s32 $0x1B8B  }
0xa8: {  	_ =	swait.ge [sflag:s23], $0x1  }
0xa9: {  	[sflag:s23] =	ssyncset.done $0x0  }
0xaa: {  	s25 =	simm.s32 $0x1B8E;
	s24 =	sld [smem:$0x3FFE];
	[sflag:s23] =	ssyncadd.s32 $0xFFFFFFFF  }
0xab: {  	s26 =	simm.s32 $execute0_lowered;
	[smem:$0x3FD2] =	sst s25  }
0xac: {  	s6 =	sshll.u32 s26, $0x1;
	_ =	strace $0x80000046;
	[dreg:$0x1] =	wrdreg $0xFFFFFFFF  }
0xad: {  	s28 =	simm.s32 $_size_execute0_lowered;
	s4 =	sadd.s32 s4, s6;
	[dreg:$0x0] =	wrdreg $0x0  }
0xae: {  	s6 =	sshll.u32 s28, $0x1;
	[dreg:$0x2] =	wrdreg s4  }
0xaf: {  	[dreg:$0x3] =	wrdreg s6  }
0xb0: {  	[dreg:$0x4] =	wrdreg $0xC0  }
0xb1: {  	_ =	task [dreg:s8], $0x5FFFF  }
0xb2: {  	[dreg:$0x1] =	wrdreg $0xFFFFFFFF  }
0xb3: {  	[dreg:$0x0] =	wrdreg $0x60  }
0xb4: {  	[dreg:$0x2] =	wrdreg s24  }
0xb5: {  	[dreg:$0x3] =	wrdreg s15  }
0xb6: {  	[dreg:$0x4] =	wrdreg s16  }
0xb7: {  	[dreg:$0x5] =	wrdreg $0x9  }
0xb8: {  	_ =	task.clear_ibuf [dreg:s8], $0x6FFFF;
	_ =	strace $0x90000046  }
0xb9: {  	s29 =	simm.s32 $0x9;
	_ =	strace $0x80000048  }
0xba: {  	_ =	swait.ge [sflag:s29], $0x1  }
0xbb: {  	[sflag:s29] =	ssyncadd.s32 $0xFFFFFFFF  }
0xbc: {  	_ =	strace $0x90000048  }
0xbd: {  	_ =	sfence  }
0xbe: {  	s30 =	sld [smem:$0x0];
	_ =	sdelay $0x2  }
0xbf: {  	s31 =	sshll.u32 s1, $0xD;
	s1 =	sshrl.u32 s1, $0x2  }
0xc0: {  	s3 =	sand.u32 $0x4000, s31;
	s1 =	sadd.s32 s1, s30  }
0xc1: {  	s0 =	sor.u32 s3, s0;
	s1 =	sshll.u32 s1, $0x11  }
0xc2: {  	s0 =	sor.u32 s1, s0  }
0xc3: {  	s0 =	sadd.s32 $0x8F2B, s0  }
0xc4: {  	[sflag:s0] =	ssyncadd.remote.s32 $0x1  }
0xc5: {  	_ =	sfence.sel $0xFFFF  }
0xc6: {  	[dreg:$0x0] =	wrdreg $0xFFFFFFFF;
	(pc) =	sbr.abs _section_cstart, $3  }
0xc7: {  	[dreg:$0x1] =	wrdreg $0xFFFFFFFF  }
0xc8: {  	_ =	task.clear_ibuf [dreg:s8], $0x2FFFF;
	_ =	strace $0x9FFFFFFF  }
0xc9: {  	(tm) =	ssettm $0x7FFFFFFF  }
tec
execute0_lowered:
.L_overlay_start_1:
0x0: {  	(tag) =	ssettag $0x1  }
0x1: {  	s4 =	rddreg [dreg:$0x0]  }
0x2: {  	s1 =	rddreg [dreg:$0x1]  }
0x3: {  	s6 =	rddreg [dreg:$0x2]  }
0x4: {  	s0 =	rddreg [dreg:$0x3];
	s3 =	simm.s32 $0x0;
	s2 =	srdreg.scid  }
0x5: {  	s12 =	simm.s32 $0x200;
	s13 =	simm.s32 $0x400;
	s14 =	simm.s32 $0x5080  }
0x6: {  	s15 =	simm.s32 $0x5100;
	s16 =	simm.s32 $0x0;
	[smem:$0x7FF] =	sst s3  }
0x7: {  	s5 =	sand.u32 $0x1, s2;
	s2 =	stileid.u32;
	_ =	strace $0x80000047  }
0x8: {  	s7 =	sshll.u32 s5, $0x6;
	s8 =	sshll.u32 s2, $0x1;
	s11 =	sshll.u32 s2, $0xA  }
0x9: {  	vm0 =	vmmov $0x1;
	vm1 =	vmmov $0x3;
	s7 =	sadd.s32 s7, s4;
	s8 =	sor.u32 s5, s8;
	s5 =	ssub.s32 $0x2, s5  }
0xa: {  	vm2 =	vmmov $0x7;
	vm3 =	vmmov $0xf;
	vm4 =	vmmov $0x1f;
	s9 =	sadd.s32 s8, s4;
	s10 =	sshrl.u32 s5, $0x1;
	s4 =	sadd.s32 $0x4800, s4  }
0xb: {  	vm7 =	vmmov $0x7f;
	vm8 =	vmmov $0xff;
	vm9 =	vmmov $0x1ff;
	s31 =	sadd.s32 s11, s7;
	s6 =	sadd.s32 s6, s8;
	s11 =	simm.s32 $0x5000  }
0xc: {  	vm10 =	vmmov $0x3ff;
	vm11 =	vmmov $0x7ff;
	vm12 =	vmmov $0xfff;
	s10 =	ssub.s32 s5, s10;
	s5 =	sadd.s32 $0x800, s31;
	s7 =	sadd.s32 $0x5000, s9  }
0xd: {  	vm13 =	vmmov $0x1fff;
	vm14 =	vmmov $0x3fff;
	vm15 =	vmmov $0x7fff;
	s9 =	simm.s32 $0x1000;
	s8 =	smax.u32 s10, $0x1;
	s10 =	simm.s32 $0x1  }
.LBB2_1:
0xe: {  	[tilespmem:s9], [sflag:$0x1] =	stream.linear.gather [hbm4b:s4+s3], $0x4000, $0x38;
	[tilespmem:$0x5180] =	vst v63  }
0xf: {  	_ =	swait.ge [sflag:s10], $0x4000  }
0x10: {  	[sflag:s10] =	ssyncset.done $0x0  }
0x11: {  	[sflag:s10] =	ssyncadd.s32 $0xFFFFC000  }
0x12: {  	[tilespmem:s11], [sflag:$0x1] =	stream.linear.gather [hbm4b:s1+s3], $0x80, $0x38;
	[tilespmem:$0x5180] =	vst v63  }
0x13: {  	_ =	swait.ge [sflag:s10], $0x80  }
0x14: {  	[sflag:s10] =	ssyncset.done $0x0  }
0x15: {  	[sflag:s10] =	ssyncadd.s32 $0xFFFFFF80  }
0x16: {  	[tilespmem:s3], [sflag:$0x1] =	stream.strided.gather [hbm4b:s5+s12], $0x1000, s13, s12, $0x38;
	[tilespmem:$0x5180] =	vst v63  }
0x17: {  	s17 =	simm.s32 $0x0;
	_ =	swait.ge [sflag:s10], $0x1000  }
0x18: {  	s18 =	sand.u32 $0x70, s3;
	s17 =	sand.u32 $0x3FFFFC00, s17;
	[sflag:s10] =	ssyncset.done $0x0  }
0x19: {  	s17 =	sor.u32 s18, s17;
	[sflag:s10] =	ssyncadd.s32 $0xFFFFF000  }
0x1a: {  	s19 =	simm.s32 $0x0;
	v0 =	vld [tilespmem:s17+$0x1200]  }
0x1b: {  	s19 =	sand.u32 $0x3FFFFE00, s19;
	v13 =	vld [tilespmem:s17+$0x1100]  }
0x1c: {  	v5 =	vimm.f32 $0.0e+00;
	v43 =	vimm.f32 $0.0e+00;
	s18 =	sor.u32 s18, s19;
	v46 =	vld [tilespmem:s17+$0x1080]  }
0x1d: {  	v42 =	vimm.f32 $0.0e+00;
	v40 =	vimm.f32 $0.0e+00;
	v41 =	vimm.f32 $0.0e+00;
	v2 =	vld [tilespmem:s18+$0x100]  }
0x1e: {  	v39 =	vimm.f32 $0.0e+00;
	v38 =	vimm.f32 $0.0e+00;
	v37 =	vimm.f32 $0.0e+00;
	v7 =	vld [tilespmem:s17+$0x1000]  }
0x1f: {  	v36 =	vimm.f32 $0.0e+00;
	v35 =	vimm.f32 $0.0e+00;
	v34 =	vimm.f32 $0.0e+00;
	v6 =	vld [tilespmem:s18+$0x80]  }
0x20: {  	v30 =	vimm.f32 $0.0e+00;
	v31 =	vimm.f32 $0.0e+00;
	v27 =	vimm.f32 $0.0e+00;
	v1 =	vld [tilespmem:s18+$0x0]  }
0x21: {  	v28 =	vimm.f32 $0.0e+00;
	v29 =	vimm.f32 $0.0e+00;
	v25 =	vimm.f32 $0.0e+00;
	v14 =	vld [tilespmem:s18+$0x180]  }
0x22: {  	v26 =	vimm.f32 $0.0e+00;
	v23 =	vimm.f32 $0.0e+00;
	v17 =	vimm.f32 $0.0e+00;
	v3 =	vld [tilespmem:s17+$0x1380]  }
0x23: {  	v21 =	vimm.f32 $0.0e+00;
	v8 =	vmul.f32 v46, v2;
	v47 =	vmul.f32 v0, v2  }
0x24: {  	v18 =	vimm.f32 $0.0e+00;
	v33 =	vmul.f32 v7, v2;
	v10 =	vmul.f32 v13, v2  }
0x25: {  	v20 =	vimm.f32 $0.0e+00;
	v4 =	vld [tilespmem:s17+$0x1180];
	v11 =	vmul.f32 v7, v6;
	v12 =	vmul.f32 v13, v6  }
0x26: {  	v24 =	vimm.f32 $0.0e+00;
	v15 =	vmul.f32 v13, v1;
	v52 =	vmul.f32 v13, v14;
	v13 =	vld [tilespmem:$0x5000]  }
0x27: {  	v22 =	vimm.f32 $0.0e+00;
	v45 =	vmul.f32 v0, v6;
	v48 =	vmul.f32 v3, v1  }
0x28: {  	v19 =	vimm.f32 $0.0e+00;
	v51 =	vmul.f32 v46, v1;
	v16 =	vmul.f32 v7, v14  }
0x29: {  	v44 =	vld [tilespmem:s17+$0x1280];
	v50 =	vmul.f32 v46, v14;
	v9 =	vadd.f32 v8, v5;
	v8 =	vadd.f32 v10, v5  }
0x2a: {  	v49 =	vmul.f32 v4, v1;
	v10 =	vadd.f32 v12, v5;
	v12 =	vadd.f32 v11, v5  }
0x2b: {  	s20 =	simm.s32 $0x1;
	v32 =	vld [tilespmem:s17+$0x1300];
	s17 =	simm.s32 $0x10;
	v11 =	vadd.f32 v15, v5;
	v15 =	vimm.f32 $0.0e+00;
	[tilespmem:$0x1FFF0] =	vst v13;
	v13 =	vimm.f32 $0.0e+00  }
.LBB2_2:
0x2c: {  	s21 =	sand.u32 $0x70, s17  }
0x2d: {  	s18 =	sshll.u32 s20, $0x6;
	s19 =	sshll.u32 s20, $0x7;
	v43 =	vadd.f32 v51, v43;
	v46 =	vmul.f32 v46, v6;
	v51 =	vmul.f32 v0, v1;
	s22 =	smov.u32 s20  }
0x2e: {  	v53 =	vmul.f32 v44, v1;
	s22 =	sand.u32 $0x3FFFFE00, s18;
	s23 =	sand.u32 $0x3FFFFC00, s19;
	s18 =	sadd.s32 $0x1, s20;
	v42 =	vadd.f32 v52, v42;
	v52 =	vmul.f32 v4, v2  }
0x2f: {  	p0 =	sne.s32 s20, $0x3F;
	v40 =	vadd.f32 v50, v40;
	v50 =	vmul.f32 v44, v2;
	s19 =	sor.u32 s21, s22;
	s21 =	sor.u32 s21, s23;
	v41 =	vadd.f32 v51, v41  }
0x30: {  	v39 =	vadd.f32 v47, v39;
	v47 =	vmul.f32 v32, v2;
	v38 =	vadd.f32 v48, v38;
	v51 =	vld [tilespmem:s21+$0x1300]  }
0x31: {  	v54 =	vmul.f32 v0, v14;
	v37 =	vadd.f32 v49, v37;
	v49 =	vmul.f32 v4, v6;
	v48 =	vld [tilespmem:s21+$0x1380]  }
0x32: {  	v56 =	vmul.f32 v44, v6;
	v2 =	vmul.f32 v3, v2;
	v36 =	vadd.f32 v47, v36;
	v55 =	vld [tilespmem:s21+$0x1280]  }
0x33: {  	v35 =	vadd.f32 v46, v35;
	v47 =	vmul.f32 v32, v6;
	v15 =	vadd.f32 v52, v15;
	v0 =	vld [tilespmem:s21+$0x1200]  }
0x34: {  	v34 =	vadd.f32 v45, v34;
	v6 =	vmul.f32 v3, v6;
	v30 =	vadd.f32 v2, v30;
	v52 =	vld [tilespmem:s21+$0x1180]  }
0x35: {  	v45 =	vmul.f32 v32, v14;
	v31 =	vadd.f32 v50, v31;
	v50 =	vmul.f32 v44, v14;
	v57 =	vld [tilespmem:s21+$0x1100]  }
0x36: {  	v27 =	vadd.f32 v33, v27;
	v33 =	vmul.f32 v3, v14;
	v28 =	vadd.f32 v54, v28;
	v46 =	vld [tilespmem:s21+$0x1080];
	v3 =	vmovc v48  }
0x37: {  	v25 =	vadd.f32 v45, v25;
	v29 =	vadd.f32 v47, v29;
	v48 =	vmul.f32 v32, v1;
	v32 =	vmovc v51;
	v2 =	vld [tilespmem:s19+$0x100]  }
0x38: {  	v45 =	vmul.f32 v7, v1;
	v26 =	vadd.f32 v50, v26;
	v13 =	vadd.f32 v6, v13;
	v44 =	vmovc v55;
	v7 =	vld [tilespmem:s21+$0x1000]  }
0x39: {  	v17 =	vadd.f32 v53, v17;
	v23 =	vadd.f32 v49, v23;
	v49 =	vmul.f32 v4, v14;
	v6 =	vld [tilespmem:s19+$0x80];
	v4 =	vmovc v52  }
0x3a: {  	v21 =	vadd.f32 v56, v21;
	v18 =	vadd.f32 v48, v18;
	v1 =	vld [tilespmem:s19+$0x0]  }
0x3b: {  	v24 =	vadd.f32 v16, v24;
	v20 =	vadd.f32 v45, v20;
	v14 =	vld [tilespmem:s19+$0x180]  }
0x3c: {  	v22 =	vadd.f32 v33, v22;
	v16 =	vmul.f32 v46, v2;
	v47 =	vmul.f32 v0, v2  }
0x3d: {  	v19 =	vadd.f32 v49, v19;
	v45 =	vmul.f32 v57, v2;
	v33 =	vmul.f32 v7, v2  }
.Ltmp0:
0x3e: {  	v49 =	vmul.f32 v7, v6;
	v9 =	vadd.f32 v16, v9;
	v16 =	vmul.f32 v57, v6;
	(pc) =	sbr.rel @p0 .LBB2_2-.Ltmp0, $4  }
0x3f: {  	v8 =	vadd.f32 v45, v8;
	v45 =	vmul.f32 v0, v6;
	v48 =	vmul.f32 v3, v1  }
0x40: {  	v51 =	vmul.f32 v46, v1;
	v52 =	vmul.f32 v57, v1;
	v10 =	vadd.f32 v16, v10  }
0x41: {  	v12 =	vadd.f32 v49, v12;
	v16 =	vmul.f32 v7, v14;
	v50 =	vmul.f32 v46, v14  }
0x42: {  	s17 =	sadd.s32 $0x10, s17;
	s20 =	smov.u32 s18;
	v49 =	vmul.f32 v4, v1;
	v11 =	vadd.f32 v52, v11;
	v52 =	vmul.f32 v57, v14  }
0x43: {  	v43 =	vadd.f32 v51, v43;
	v61 =	vmul.f32 v46, v6;
	v62 =	vmul.f32 v0, v1  }
0x44: {  	v63 =	vmul.f32 v4, v2;
	v54 =	vmul.f32 v44, v1;
	v40 =	vadd.f32 v50, v40  }
0x45: {  	v56 =	vmul.f32 v44, v2;
	v39 =	vadd.f32 v47, v39;
	v57 =	vmul.f32 v32, v2  }
0x46: {  	v38 =	vadd.f32 v48, v38;
	v58 =	vmul.f32 v4, v6;
	v0 =	vmul.f32 v0, v14  }
0x47: {  	v59 =	vmul.f32 v3, v2;
	v60 =	vmul.f32 v44, v6;
	v27 =	vadd.f32 v33, v27;
	[tilespmem:$0x1FE70] =	vst v40  }
0x48: {  	v4 =	vmul.f32 v4, v14;
	v53 =	vimm.f32 $0.0e+00;
	[tilespmem:$0x1FEA0] =	vst v38;
	v36 =	vadd.f32 v57, v36  }
0x49: {  	v33 =	vimm.f32 $0.0e+00;
	v42 =	vadd.f32 v52, v42;
	v2 =	vadd.f32 v61, v35;
	[tilespmem:$0x1FF20] =	vst v27  }
0x4a: {  	v51 =	vimm.f32 $0.0e+00;
	v37 =	vadd.f32 v49, v37;
	v15 =	vadd.f32 v63, v15;
	[tilespmem:$0x1FEC0] =	vst v36  }
0x4b: {  	s17 =	simm.s32 $0x0;
	v52 =	vimm.f32 $0.0e+00;
	v55 =	vadd.f32 v62, v41;
	v30 =	vadd.f32 v59, v30;
	[tilespmem:$0x1FED0] =	vst v2  }
0x4c: {  	s18 =	simm.s32 $0x0;
	s19 =	simm.s32 $0x0;
	s17 =	sand.u32 $0x70, s17;
	v61 =	vmul.f32 v32, v6;
	v62 =	vmul.f32 v32, v14;
	v0 =	vadd.f32 v0, v28;
	[tilespmem:$0x1FEE0] =	vst v15  }
0x4d: {  	s18 =	sand.u32 $0x3FFFFC00, s18;
	s19 =	sand.u32 $0x3FFFFE00, s19;
	v63 =	vmul.f32 v3, v6;
	v4 =	vadd.f32 v4, v19;
	v19 =	vimm.f32 $0.0e+00;
	[tilespmem:$0x1FF00] =	vst v30  }
0x4e: {  	s18 =	sor.u32 s17, s18;
	s17 =	sor.u32 s17, s19;
	v38 =	vimm.f32 $0.0e+00;
	v35 =	vimm.f32 $0.0e+00;
	v15 =	vadd.f32 v45, v34;
	[tilespmem:$0x1FF30] =	vst v0  }
0x4f: {  	v28 =	vimm.f32 $0.0e+00;
	v6 =	vld [tilespmem:s17+$0x100];
	v30 =	vadd.f32 v56, v31;
	v31 =	vmul.f32 v44, v14;
	[tilespmem:$0x1FFE0] =	vst v4  }
0x50: {  	v48 =	vld [tilespmem:s18+$0x3000];
	v0 =	vadd.f32 v61, v29;
	v25 =	vadd.f32 v62, v25;
	v44 =	vimm.f32 $0.0e+00;
	[tilespmem:$0x1FEF0] =	vst v15  }
0x51: {  	v45 =	vimm.f32 $0.0e+00;
	v34 =	vimm.f32 $0.0e+00;
	v61 =	vimm.f32 $0.0e+00;
	[tilespmem:$0x1FF10] =	vst v30  }
0x52: {  	v15 =	vld [tilespmem:s18+$0x3200];
	[tilespmem:$0x1FF40] =	vst v0;
	v0 =	vmul.f32 v32, v1;
	v1 =	vmul.f32 v7, v1;
	v7 =	vadd.f32 v63, v13  }
0x53: {  	v36 =	vimm.f32 $0.0e+00;
	v62 =	vimm.f32 $0.0e+00;
	v30 =	vld [tilespmem:s18+$0x3100];
	[tilespmem:$0x1FF50] =	vst v25;
	v25 =	vadd.f32 v31, v26  }
0x54: {  	v13 =	vld [tilespmem:s17+$0x80];
	v32 =	vimm.f32 $0.0e+00;
	[tilespmem:$0x1FF70] =	vst v7;
	v7 =	vadd.f32 v58, v23;
	v0 =	vadd.f32 v0, v18  }
0x55: {  	v27 =	vld [tilespmem:s18+$0x3080];
	[tilespmem:$0x1FF60] =	vst v25;
	v57 =	vadd.f32 v1, v20;
	v47 =	vmul.f32 v48, v6;
	v20 =	vimm.f32 $0.0e+00  }
0x56: {  	v25 =	vimm.f32 $0.0e+00;
	[tilespmem:$0x1FF80] =	vst v7;
	v7 =	vmul.f32 v3, v14;
	v3 =	vadd.f32 v54, v17  }
0x57: {  	v2 =	vld [tilespmem:s18+$0x3380];
	[tilespmem:$0x1FFB0] =	vst v0;
	v0 =	vadd.f32 v16, v24;
	v16 =	vimm.f32 $0.0e+00;
	v54 =	vimm.f32 $0.0e+00  }
0x58: {  	v17 =	vld [tilespmem:s17+$0x0];
	v24 =	vimm.f32 $0.0e+00;
	v1 =	vmul.f32 v15, v6;
	[tilespmem:$0x1FF90] =	vst v3;
	v3 =	vadd.f32 v60, v21  }
0x59: {  	v23 =	vld [tilespmem:s18+$0x3180];
	v4 =	vmul.f32 v48, v13;
	v14 =	vmul.f32 v30, v13;
	[tilespmem:$0x1FFC0] =	vst v0;
	v7 =	vadd.f32 v7, v22  }
0x5a: {  	v31 =	vmul.f32 v15, v13;
	v0 =	vmul.f32 v27, v6;
	v60 =	vimm.f32 $0.0e+00;
	[tilespmem:$0x1FFA0] =	vst v3;
	v3 =	vld [tilespmem:s17+$0x180]  }
0x5b: {  	v22 =	vimm.f32 $0.0e+00;
	v40 =	vadd.f32 v14, v5;
	[tilespmem:$0x1FFD0] =	vst v7;
	v7 =	vmul.f32 v30, v6  }
0x5c: {  	[tilespmem:$0x1FE60] =	vst v42;
	v63 =	vadd.f32 v4, v5;
	v14 =	vimm.f32 $0.0e+00;
	v4 =	vimm.f32 $0.0e+00  }
0x5d: {  	[tilespmem:$0x1FEB0] =	vst v37;
	v42 =	vmul.f32 v2, v17;
	v37 =	vadd.f32 v7, v5;
	v7 =	vmul.f32 v30, v17  }
0x5e: {  	[tilespmem:$0x1FE50] =	vst v43;
	v56 =	vld [tilespmem:s18+$0x3280];
	v43 =	vadd.f32 v0, v5;
	v21 =	vmul.f32 v27, v17;
	v58 =	vmul.f32 v23, v17  }
0x5f: {  	[tilespmem:$0x1FE90] =	vst v39;
	v50 =	vadd.f32 v7, v5;
	v7 =	vimm.f32 $0.0e+00;
	v46 =	vmul.f32 v48, v3  }
0x60: {  	s20 =	simm.s32 $0x1;
	[tilespmem:$0x1FE80] =	vst v55;
	v26 =	vld [tilespmem:s18+$0x3300];
	s17 =	simm.s32 $0x10;
	v0 =	vmul.f32 v27, v3;
	v18 =	vmul.f32 v30, v3;
	v30 =	vimm.f32 $0.0e+00  }
.LBB2_4:
0x61: {  	s21 =	sand.u32 $0x70, s17  }
0x62: {  	s18 =	sshll.u32 s20, $0x6;
	s19 =	sshll.u32 s20, $0x7;
	v5 =	vadd.f32 v21, v5;
	v21 =	vmul.f32 v27, v13;
	v27 =	vmul.f32 v15, v17;
	s22 =	smov.u32 s20  }
0x63: {  	v59 =	vmul.f32 v56, v17;
	s22 =	sand.u32 $0x3FFFFE00, s18;
	s23 =	sand.u32 $0x3FFFFC00, s19;
	s18 =	sadd.s32 $0x1, s20;
	v53 =	vadd.f32 v18, v53;
	v18 =	vmul.f32 v23, v6  }
0x64: {  	p0 =	sne.s32 s20, $0x3F;
	v60 =	vadd.f32 v0, v60;
	v0 =	vmul.f32 v56, v6;
	s19 =	sor.u32 s21, s22;
	s21 =	sor.u32 s21, s23;
	v33 =	vadd.f32 v27, v33  }
0x65: {  	v30 =	vadd.f32 v1, v30;
	v1 =	vmul.f32 v26, v6;
	v16 =	vadd.f32 v42, v16;
	v29 =	vld [tilespmem:s21+$0x3300]  }
0x66: {  	v39 =	vmul.f32 v15, v3;
	v54 =	vadd.f32 v58, v54;
	v58 =	vmul.f32 v23, v13;
	v42 =	vld [tilespmem:s21+$0x3380]  }
0x67: {  	v49 =	vmul.f32 v56, v13;
	v19 =	vadd.f32 v1, v19;
	v1 =	vmul.f32 v2, v6;
	v41 =	vld [tilespmem:s21+$0x3280]  }
0x68: {  	v32 =	vadd.f32 v21, v32;
	v44 =	vadd.f32 v18, v44;
	v18 =	vmul.f32 v26, v13;
	v15 =	vld [tilespmem:s21+$0x3200]  }
0x69: {  	v38 =	vadd.f32 v31, v38;
	v13 =	vmul.f32 v2, v13;
	v7 =	vadd.f32 v1, v7;
	v21 =	vld [tilespmem:s21+$0x3180]  }
0x6a: {  	v24 =	vadd.f32 v0, v24;
	v0 =	vmul.f32 v56, v3;
	v1 =	vmul.f32 v26, v3;
	v55 =	vld [tilespmem:s21+$0x3100]  }
0x6b: {  	v45 =	vadd.f32 v47, v45;
	v31 =	vmul.f32 v2, v3;
	v34 =	vadd.f32 v39, v34;
	v27 =	vld [tilespmem:s21+$0x3080];
	v2 =	vmovc v42  }
0x6c: {  	v39 =	vmul.f32 v26, v17;
	v22 =	vadd.f32 v18, v22;
	v20 =	vadd.f32 v1, v20;
	v26 =	vmovc v29;
	v6 =	vld [tilespmem:s19+$0x100]  }
0x6d: {  	v25 =	vadd.f32 v0, v25;
	v14 =	vadd.f32 v13, v14;
	v1 =	vmul.f32 v48, v17;
	v56 =	vmovc v41;
	v48 =	vld [tilespmem:s21+$0x3000]  }
0x6e: {  	v36 =	vadd.f32 v59, v36;
	v61 =	vadd.f32 v58, v61;
	v0 =	vmul.f32 v23, v3;
	v13 =	vld [tilespmem:s19+$0x80];
	v23 =	vmovc v21  }
0x6f: {  	v35 =	vadd.f32 v49, v35;
	v28 =	vadd.f32 v39, v28;
	v17 =	vld [tilespmem:s19+$0x0]  }
0x70: {  	v51 =	vadd.f32 v46, v51;
	v52 =	vadd.f32 v1, v52;
	v3 =	vld [tilespmem:s19+$0x180]  }
0x71: {  	v4 =	vadd.f32 v31, v4;
	v18 =	vmul.f32 v27, v6;
	v1 =	vmul.f32 v15, v6  }
0x72: {  	v62 =	vadd.f32 v0, v62;
	v21 =	vmul.f32 v55, v6;
	v47 =	vmul.f32 v48, v6  }
.Ltmp1:
0x73: {  	v0 =	vmul.f32 v48, v13;
	v43 =	vadd.f32 v18, v43;
	v18 =	vmul.f32 v55, v13;
	(pc) =	sbr.rel @p0 .LBB2_4-.Ltmp1, $4  }
0x74: {  	v37 =	vadd.f32 v21, v37;
	v31 =	vmul.f32 v15, v13;
	v42 =	vmul.f32 v2, v17  }
0x75: {  	v21 =	vmul.f32 v27, v17;
	v29 =	vmul.f32 v55, v17;
	v40 =	vadd.f32 v18, v40  }
0x76: {  	v63 =	vadd.f32 v0, v63;
	v46 =	vmul.f32 v48, v3;
	v0 =	vmul.f32 v27, v3  }
0x77: {  	s17 =	sadd.s32 $0x10, s17;
	s20 =	smov.u32 s18;
	v58 =	vmul.f32 v23, v17;
	v18 =	vmul.f32 v55, v3;
	v50 =	vadd.f32 v29, v50  }
0x78: {  	v55 =	vld [tilespmem:$0x1FF20]  }
0x79: {  	(xrf2) =	vadd.scan.msk.f32 $0xffff, v57;
	v57 =	vld [tilespmem:$0x1FFC0]  }
0x7a: {  	v59 =	vld [tilespmem:$0x1FE50]  }
0x7b: {  	v29 =	vld [tilespmem:$0x1FED0]  }
0x7c: {  	(xrf2) =	vadd.scan.msk.f32 $0xffff, v12  }
0x7d: {  	v39 =	vld [tilespmem:$0x1FE70];
	(xrf2) =	vadd.scan.msk.f32 $0xffff, v55  }
0x7e: {  	(xrf2) =	vadd.scan.msk.f32 $0xffff, v57  }
0x7f: {  	(xrf2) =	vadd.scan.msk.f32 $0xffff, v59  }
0x80: {  	(xrf2) =	vadd.scan.msk.f32 $0xffff, v29  }
0x81: {  	v41 =	vld [tilespmem:$0x1FE60];
	(xrf2) =	vadd.scan.msk.f32 $0xffff, v9  }
0x82: {  	v49 =	vld [tilespmem:$0x1FEB0];
	(xrf2) =	vadd.scan.msk.f32 $0xffff, v39  }
0x83: {  	(xrf2) =	vadd.scan.msk.f32 $0xffff, v11  }
0x84: {  	v59 =	vld [tilespmem:$0x1FF80];
	(xrf2) =	vadd.scan.msk.f32 $0xffff, v10  }
0x85: {  	v29 =	vld [tilespmem:$0x1FEE0];
	(xrf2) =	vadd.scan.msk.f32 $0xffff, v8  }
0x86: {  	v39, _, _ =	vpop (xrf2);
	(xrf2) =	vadd.scan.msk.f32 $0xffff, v41;
	v41 =	vld [tilespmem:$0x1FFE0]  }
0x87: {  	v57, _, _ =	vpop (xrf2);
	(xrf2) =	vadd.scan.msk.f32 $0xffff, v49;
	v49 =	vld [tilespmem:$0x1FE80]  }
0x88: {  	v55, _, _ =	vpop (xrf2)  }
0x89: {  	(xrf2) =	vadd.scan.msk.f32 $0xffff, v59;
	v12, _, _ =	vpop (xrf2)  }
0x8a: {  	[tilespmem:$0x1FDC0] =	vst v55;
	(xrf2) =	vadd.scan.msk.f32 $0xffff, v29;
	v29, _, _ =	vpop (xrf2)  }
0x8b: {  	[tilespmem:$0x1FE00] =	vst v12;
	v12 =	vld [tilespmem:$0x1FEF0];
	v55, _, _ =	vpop (xrf2);
	(xrf2) =	vadd.scan.msk.f32 $0xffff, v41  }
0x8c: {  	v59, _, _ =	vpop (xrf2);
	(xrf2) =	vadd.scan.msk.f32 $0xffff, v49;
	v49 =	vld [tilespmem:$0x1FE90]  }
0x8d: {  	[tilespmem:$0x1FDD0] =	vst v59;
	v41, _, _ =	vpop (xrf2);
	v59 =	vld [tilespmem:$0x1FF30]  }
0x8e: {  	[tilespmem:$0x1FE10] =	vst v41;
	v41 =	vld [tilespmem:$0x1FF90];
	_ =	sdelay $0x1  }
0x8f: {  	(xrf2) =	vadd.scan.msk.f32 $0xffff, v12  }
0x90: {  	(xrf2) =	vadd.scan.msk.f32 $0xffff, v49  }
0x91: {  	v12, _, _ =	vpop (xrf2);
	(xrf2) =	vadd.scan.msk.f32 $0xffff, v59  }
0x92: {  	v59, _, _ =	vpop (xrf2);
	(xrf2) =	vadd.scan.msk.f32 $0xffff, v41;
	v41 =	vld [tilespmem:$0x1FFA0];
	_ =	sdelay $0x4  }
0x93: {  	v49, _, _ =	vpop (xrf2);
	(xrf2) =	vadd.scan.msk.f32 $0xffff, v41;
	v41 =	vld [tilespmem:$0x1FF10];
	_ =	sdelay $0x2  }
0x94: {  	[tilespmem:$0x1FDE0] =	vst v49;
	v49, _, _ =	vpop (xrf2)  }
0x95: {  	[tilespmem:$0x1FE20] =	vst v49;
	v49 =	vld [tilespmem:$0x1FF60]  }
0x96: {  	(xrf2) =	vadd.scan.msk.f32 $0xffff, v41;
	v41 =	vld [tilespmem:$0x1FFB0];
	_ =	sdelay $0x2  }
0x97: {  	v11, _, _ =	vpop (xrf2)  }
0x98: {  	(xrf2) =	vadd.scan.msk.f32 $0xffff, v49;
	v49, _, _ =	vpop (xrf2)  }
0x99: {  	(xrf2) =	vadd.scan.msk.f32 $0xffff, v41;
	v41, _, _ =	vpop (xrf2)  }
0x9a: {  	[tilespmem:$0x1FDF0] =	vst v41;
	v41 =	vld [tilespmem:$0x1FF40];
	_ =	sdelay $0x4  }
0x9b: {  	(xrf2) =	vadd.scan.msk.f32 $0xffff, v41;
	v41, _, _ =	vpop (xrf2)  }
0x9c: {  	[tilespmem:$0x1FE30] =	vst v41;
	v41 =	vld [tilespmem:$0x1FEC0];
	_ =	sdelay $0x4  }
0x9d: {  	(xrf2) =	vadd.scan.msk.f32 $0xffff, v41;
	v41 =	vld [tilespmem:$0x1FF50]  }
0x9e: {  	v8 =	vld [tilespmem:$0x1FEA0];
	_ =	sdelay $0x3  }
0x9f: {  	v10, _, _ =	vpop (xrf2);
	(xrf2) =	vadd.scan.msk.f32 $0xffff, v41  }
0xa0: {  	v41, _, _ =	vpop (xrf2);
	(xrf2) =	vadd.scan.msk.f32 $0xffff, v8;
	v8 =	vmul.f32 v48, v17  }
0xa1: {  	v9 =	vld [tilespmem:$0x1FF70]  }
0xa2: {  	v8 =	vadd.f32 v8, v52;
	v52 =	vld [tilespmem:$0x1FF00];
	_ =	sdelay $0x3  }
0xa3: {  	v48, _, _ =	vpop (xrf2);
	(xrf2) =	vadd.scan.msk.f32 $0xffff, v9  }
0xa4: {  	v9, _, _ =	vpop (xrf2);
	(xrf2) =	vadd.scan.msk.f32 $0xffff, v52;
	v52 =	vld [tilespmem:$0x1FFD0];
	_ =	sdelay $0x3  }
0xa5: {  	[tilespmem:$0x1FE40] =	vst v9;
	v9, _, _ =	vpop (xrf2)  }
0xa6: {  	(xrf2) =	vadd.scan.msk.f32 $0xffff, v52;
	v52, _, _ =	vpop (xrf2)  }
0xa7: {  	v45 =	vadd.f32 v47, v45;
	(xrf2) =	vadd.scan.msk.f32 $0xffff, v8;
	v47, _, _ =	vpop (xrf2)  }
0xa8: {  	v46 =	vadd.f32 v46, v51;
	v27 =	vmul.f32 v27, v13;
	v5 =	vadd.f32 v21, v5;
	(xrf2) =	vadd.scan.msk.f32 $0xffff, v63;
	v51, _, _ =	vpop (xrf2)  }
0xa9: {  	(xrf2) =	vadd.scan.msk.f32 $0xffff, v45;
	v63, _, _ =	vpop (xrf2)  }
0xaa: {  	v27 =	vadd.f32 v27, v32;
	(xrf2) =	vadd.scan.msk.f32 $0xffff, v46;
	v32, _, _ =	vpop (xrf2)  }
0xab: {  	(xrf2) =	vadd.scan.msk.f32 $0xffff, v5;
	v45, _, _ =	vpop (xrf2)  }
0xac: {  	v0 =	vadd.f32 v0, v60;
	(xrf2) =	vadd.scan.msk.f32 $0xffff, v27;
	v5, _, _ =	vpop (xrf2)  }
0xad: {  	(xrf2) =	vadd.scan.msk.f32 $0xffff, v43;
	v8, _, _ =	vpop (xrf2)  }
0xae: {  	(xrf2) =	vadd.scan.msk.f32 $0xffff, v0;
	v46, _, _ =	vpop (xrf2)  }
0xaf: {  	v60 =	vmul.f32 v23, v13;
	(xrf2) =	vadd.scan.msk.f32 $0xffff, v50;
	v43, _, _ =	vpop (xrf2)  }
0xb0: {  	v0 =	vadd.f32 v18, v53;
	v53 =	vadd.f32 v58, v54;
	v58 =	vmul.f32 v23, v3;
	(xrf2) =	vadd.scan.msk.f32 $0xffff, v40;
	v21, _, _ =	vpop (xrf2)  }
0xb1: {  	v54 =	vmul.f32 v23, v6;
	(xrf2) =	vadd.scan.msk.f32 $0xffff, v37;
	v50, _, _ =	vpop (xrf2)  }
0xb2: {  	v18 =	vadd.f32 v60, v61;
	(xrf2) =	vadd.scan.msk.f32 $0xffff, v0;
	v37, _, _ =	vpop (xrf2);
	v0 =	vadd.f32 v58, v62  }
0xb3: {  	v60 =	vmul.f32 v15, v17;
	v40 =	vadd.f32 v54, v44;
	(xrf2) =	vadd.scan.msk.f32 $0xffff, v53;
	v27, _, _ =	vpop (xrf2)  }
0xb4: {  	v62 =	vmul.f32 v15, v3;
	(xrf2) =	vadd.scan.msk.f32 $0xffff, v18;
	v23, _, _ =	vpop (xrf2)  }
0xb5: {  	v61 =	vadd.f32 v60, v33;
	(xrf2) =	vadd.scan.msk.f32 $0xffff, v40;
	v33, _, _ =	vpop (xrf2)  }
0xb6: {  	v31 =	vadd.f32 v31, v38;
	v34 =	vadd.f32 v62, v34;
	(xrf2) =	vadd.scan.msk.f32 $0xffff, v0;
	v0, _, _ =	vpop (xrf2)  }
0xb7: {  	v1 =	vadd.f32 v1, v30;
	v38 =	vmul.f32 v56, v17;
	(xrf2) =	vadd.scan.msk.f32 $0xffff, v61;
	v30, _, _ =	vpop (xrf2)  }
0xb8: {  	v40 =	vmul.f32 v56, v13;
	(xrf2) =	vadd.scan.msk.f32 $0xffff, v31;
	v15, _, _ =	vpop (xrf2)  }
0xb9: {  	v44 =	vmul.f32 v56, v6;
	v18 =	vadd.f32 v38, v36;
	(xrf2) =	vadd.scan.msk.f32 $0xffff, v1;
	v36, _, _ =	vpop (xrf2)  }
0xba: {  	v53 =	vmul.f32 v56, v3;
	v31 =	vadd.f32 v40, v35;
	(xrf2) =	vadd.scan.msk.f32 $0xffff, v34;
	v34, _, _ =	vpop (xrf2)  }
0xbb: {  	v29 =	vbroadcast v29, $0xF;
	v54 =	vmul.f32 v26, v17;
	v1 =	vadd.f32 v44, v24;
	(xrf2) =	vadd.scan.msk.f32 $0xffff, v18;
	v24, _, _ =	vpop (xrf2)  }
0xbc: {  	v58 =	vmul.f32 v26, v13;
	v56 =	vadd.f32 v53, v25;
	v40 =	vbroadcast v39, $0xF;
	(xrf2) =	vadd.scan.msk.f32 $0xffff, v31;
	v17, _, _ =	vpop (xrf2)  }
0xbd: {  	v12 =	vbroadcast v12, $0xF;
	v60 =	vmul.f32 v26, v6;
	v28 =	vadd.f32 v54, v28;
	(xrf2) =	vadd.scan.msk.f32 $0xffff, v1;
	v62, _, _ =	vpop (xrf2)  }
0xbe: {  	v38 =	vadd.f32 v58, v22;
	v61 =	vmul.f32 v26, v3;
	v22 =	vsel vm0, v40, v29;
	(xrf2) =	vadd.scan.msk.f32 $0xffff, v56;
	v18, _, _ =	vpop (xrf2)  }
0xbf: {  	v12 =	vsel vm1, v22, v12;
	v31 =	vadd.f32 v60, v19;
	(xrf2) =	vadd.scan.msk.f32 $0xffff, v28;
	v25, _, _ =	vpop (xrf2)  }
0xc0: {  	v11 =	vbroadcast v11, $0xF;
	v20 =	vadd.f32 v61, v20;
	(xrf2) =	vadd.scan.msk.f32 $0xffff, v38;
	v19, _, _ =	vpop (xrf2)  }
0xc1: {  	v10 =	vbroadcast v10, $0xF;
	v44 =	vadd.f32 v42, v16;
	(xrf2) =	vadd.scan.msk.f32 $0xffff, v31;
	v53, _, _ =	vpop (xrf2)  }
0xc2: {  	v9 =	vbroadcast v9, $0xF;
	v11 =	vsel vm2, v12, v11;
	v12, _, _ =	vpop (xrf2);
	(xrf2) =	vadd.scan.msk.f32 $0xffff, v20  }
0xc3: {  	v54 =	vbroadcast v63, $0xF;
	v10 =	vsel vm3, v11, v10;
	v26, _, _ =	vpop (xrf2);
	(xrf2) =	vadd.scan.msk.f32 $0xffff, v44  }
0xc4: {  	vm6 =	vmmov $0x3f;
	v8 =	vbroadcast v8, $0xF;
	v9 =	vsel vm4, v10, v9;
	v1, _, _ =	vpop (xrf2)  }
0xc5: {  	v58 =	vbroadcast v50, $0xF;
	v9 =	vsel vm6, v9, v54;
	v56, _, _ =	vpop (xrf2)  }
0xc6: {  	v60 =	vbroadcast v33, $0xF;
	v8 =	vsel vm7, v9, v8;
	v29, _, _ =	vpop (xrf2)  }
0xc7: {  	v61 =	vbroadcast v36, $0xF;
	v8 =	vsel vm8, v8, v58;
	v28, _, _ =	vpop (xrf2)  }
0xc8: {  	v62 =	vbroadcast v62, $0xF;
	v8 =	vsel vm9, v8, v60;
	v20, _, _ =	vpop (xrf2)  }
0xc9: {  	v16 =	vbroadcast v53, $0xF;
	v8 =	vsel vm10, v8, v61;
	v63, _, _ =	vpop (xrf2)  }
0xca: {  	v8 =	vsel vm11, v8, v62;
	v33 =	vbroadcast v56, $0xF;
	v31, _, _ =	vpop (xrf2)  }
0xcb: {  	v8 =	vsel vm12, v8, v16;
	v35 =	vbroadcast v63, $0xF;
	v10, _, _ =	vpop (xrf2)  }
0xcc: {  	v8 =	vsel vm13, v8, v33;
	v22, _, _ =	vpop (xrf2)  }
0xcd: {  	v8 =	vsel vm14, v8, v35;
	v36, _, _ =	vpop (xrf2)  }
0xce: {  	v8 =	vsel vm15, v8, v36;
	v36 =	vld [tilespmem:$0x1FFF0];
	_ =	sdelay $0x4  }
0xcf: {  	v8 =	vadd.f32 v8, v36;
	_ =	sdelay $0x1  }
0xd0: {  	(xrf0) =	vmax.scan.msk.f32 $0xffff, v8;
	_ =	sdelay $0x5  }
0xd1: {  	v38, _, _ =	vpop (xrf0)  }
0xd2: {  	v39 =	vbroadcast v38, $0xF  }
0xd3: {  	v35 =	vlaneseq.u32  }
0xd4: {  	v16 =	vor.u32 $0x80000000, v35;
	vm5 =	veq.f32 v8, v39  }
0xd5: {  	v11 =	vnsel vm5, $0x80000010, v16  }
0xd6: {  	(xrf0) =	vmin.scan.msk.u32 $0xffff, v11;
	_ =	sdelay $0x5  }
0xd7: {  	(v2sf) =	vpush v38, $0xF;
	v40, _, _ =	vpop (xrf0)  }
0xd8: {  	(v2sf) =	vpush v40, $0xF;
	_ =	sdelay $0xc  }
0xd9: {  	v42 =	vbroadcast v57, $0xF;
	v44 =	vbroadcast v55, $0xF  }
0xda: {  	v50 =	vmul.f32 v2, v13;
	v53 =	vbroadcast v59, $0xF;
	s17 =	spop (v2sf)  }
0xdb: {  	v54 =	vbroadcast v49, $0xF;
	v9 =	vsel vm0, v42, v44;
	s18 =	spop (v2sf)  }
0xdc: {  	v14 =	vadd.f32 v50, v14;
	v55 =	vbroadcast v41, $0xF;
	v9 =	vsel vm1, v9, v53;
	s18 =	sxor.u32 $0x80000000, s18  }
0xdd: {  	v56 =	vbroadcast v52, $0xF;
	v9 =	vsel vm2, v9, v54;
	v13 =	vmov s18  }
0xde: {  	v57 =	vbroadcast v32, $0xF;
	v9 =	vsel vm3, v9, v55;
	(xrf2) =	vadd.scan.msk.f32 $0xffff, v14;
	vm5 =	veq.s32 v13, v35  }
0xdf: {  	v58 =	vbroadcast v46, $0xF;
	v9 =	vsel vm4, v9, v56;
	v8 =	vsel vm5, $0xFF61B1E6, v8  }
0xe0: {  	v59 =	vbroadcast v37, $0xF;
	v9 =	vsel vm6, v9, v57;
	(xrf0) =	vmax.scan.msk.f32 $0xffff, v8  }
0xe1: {  	v0 =	vbroadcast v0, $0xF;
	v9 =	vsel vm7, v9, v58  }
0xe2: {  	v60 =	vbroadcast v34, $0xF;
	v9 =	vsel vm8, v9, v59  }
0xe3: {  	v61 =	vbroadcast v18, $0xF;
	v0 =	vsel vm9, v9, v0  }
0xe4: {  	v62 =	vbroadcast v12, $0xF;
	v0 =	vsel vm10, v0, v60  }
0xe5: {  	v63 =	vbroadcast v29, $0xF;
	v0 =	vsel vm11, v0, v61  }
0xe6: {  	v18 =	vbroadcast v31, $0xF;
	v0 =	vsel vm12, v0, v62;
	v29, _, _ =	vpop (xrf0)  }
0xe7: {  	v0 =	vsel vm13, v0, v63;
	v31 =	vbroadcast v29, $0xF  }
0xe8: {  	v0 =	vsel vm14, v0, v18;
	v32, _, _ =	vpop (xrf2)  }
0xe9: {  	v0 =	vsel vm15, v0, v32;
	vm5 =	veq.f32 v8, v31  }
0xea: {  	v0 =	vadd.f32 v0, v36;
	v8 =	vnsel vm5, $0x80000010, v16  }
0xeb: {  	(xrf0) =	vmin.scan.msk.u32 $0xffff, v8  }
0xec: {  	(xrf0) =	vmax.scan.msk.f32 $0xffff, v0;
	_ =	sdelay $0x4  }
0xed: {  	v8, _, _ =	vpop (xrf0)  }
0xee: {  	v33, _, _ =	vpop (xrf0)  }
0xef: {  	v34 =	vbroadcast v33, $0xF;
	_ =	sdelay $0x1  }
0xf0: {  	vm5 =	veq.f32 v0, v34  }
0xf1: {  	v11 =	vnsel vm5, $0x80000010, v16  }
0xf2: {  	(xrf0) =	vmin.scan.msk.u32 $0xffff, v11;
	_ =	sdelay $0x3  }
0xf3: {  	(v2sf) =	vpush v29, $0xF  }
0xf4: {  	(v2sf) =	vpush v8, $0xF  }
0xf5: {  	(v2sf) =	vpush v33, $0xF;
	v37, _, _ =	vpop (xrf0)  }
0xf6: {  	(v2sf) =	vpush v37, $0xF;
	_ =	sdelay $0x6  }
0xf7: {  	v38 =	vld [tilespmem:$0x1FDC0]  }
0xf8: {  	v39 =	vld [tilespmem:$0x1FDD0]  }
0xf9: {  	v41 =	vld [tilespmem:$0x1FDE0]  }
0xfa: {  	v42 =	vld [tilespmem:$0x1FDF0];
	_ =	sdelay $0x1  }
0xfb: {  	s21 =	spop (v2sf)  }
0xfc: {  	v9 =	vbroadcast v39, $0xF;
	v8 =	vbroadcast v38, $0xF;
	s29 =	spop (v2sf)  }
0xfd: {  	v40 =	vmul.f32 v2, v6;
	v11 =	vbroadcast v41, $0xF;
	s20 =	spop (v2sf)  }
0xfe: {  	v8 =	vsel vm0, v8, v9;
	v9 =	vbroadcast v42, $0xF;
	s19 =	spop (v2sf)  }
0xff: {  	v46 =	vbroadcast v48, $0xF;
	v6 =	vadd.f32 v40, v7;
	v44 =	vsel vm1, v8, v11;
	s19 =	sxor.u32 $0x80000000, s19  }
0x100: {  	v47 =	vbroadcast v47, $0xF;
	v7 =	vsel vm2, v44, v9;
	v48 =	vmov s19  }
0x101: {  	v49 =	vbroadcast v45, $0xF;
	(xrf2) =	vadd.scan.msk.f32 $0xffff, v6;
	v7 =	vsel vm3, v7, v46;
	vm5 =	veq.s32 v48, v35  }
0x102: {  	v50 =	vbroadcast v43, $0xF;
	v7 =	vsel vm4, v7, v47;
	v0 =	vsel vm5, $0xFF61B1E6, v0  }
0x103: {  	v52 =	vbroadcast v27, $0xF;
	v6 =	vsel vm6, v7, v49;
	(xrf0) =	vmax.scan.msk.f32 $0xffff, v0  }
0x104: {  	v53 =	vbroadcast v30, $0xF;
	v6 =	vsel vm7, v6, v50  }
0x105: {  	v54 =	vbroadcast v24, $0xF;
	v6 =	vsel vm8, v6, v52  }
0x106: {  	v55 =	vbroadcast v25, $0xF;
	v6 =	vsel vm9, v6, v53  }
0x107: {  	v56 =	vbroadcast v26, $0xF;
	v6 =	vsel vm10, v6, v54  }
0x108: {  	v57 =	vbroadcast v28, $0xF;
	v6 =	vsel vm11, v6, v55  }
0x109: {  	v58 =	vbroadcast v10, $0xF;
	v6 =	vsel vm12, v6, v56;
	v59, _, _ =	vpop (xrf0)  }
0x10a: {  	v6 =	vsel vm13, v6, v57;
	v60 =	vbroadcast v59, $0xF  }
0x10b: {  	v61, _, _ =	vpop (xrf2);
	v6 =	vsel vm14, v6, v58  }
0x10c: {  	v6 =	vsel vm15, v6, v61;
	vm5 =	veq.f32 v0, v60  }
0x10d: {  	v6 =	vadd.f32 v6, v36;
	v0 =	vnsel vm5, $0x80000010, v16  }
0x10e: {  	(xrf0) =	vmin.scan.msk.u32 $0xffff, v0  }
0x10f: {  	(xrf0) =	vmax.scan.msk.f32 $0xffff, v6;
	_ =	sdelay $0x4  }
0x110: {  	v0, _, _ =	vpop (xrf0)  }
0x111: {  	v62, _, _ =	vpop (xrf0)  }
0x112: {  	v63 =	vbroadcast v62, $0xF;
	_ =	sdelay $0x1  }
0x113: {  	vm5 =	veq.f32 v6, v63  }
0x114: {  	v8 =	vnsel vm5, $0x80000010, v16  }
0x115: {  	(xrf0) =	vmin.scan.msk.u32 $0xffff, v8;
	_ =	sdelay $0x3  }
0x116: {  	(v2sf) =	vpush v59, $0xF  }
0x117: {  	(v2sf) =	vpush v0, $0xF  }
0x118: {  	(v2sf) =	vpush v62, $0xF;
	v7, _, _ =	vpop (xrf0)  }
0x119: {  	(v2sf) =	vpush v7, $0xF;
	_ =	sdelay $0x6  }
0x11a: {  	v9 =	vld [tilespmem:$0x1FE10]  }
0x11b: {  	v8 =	vld [tilespmem:$0x1FE00]  }
0x11c: {  	v11 =	vld [tilespmem:$0x1FE20]  }
0x11d: {  	v12 =	vld [tilespmem:$0x1FE30]  }
0x11e: {  	v14 =	vld [tilespmem:$0x1FE40]  }
0x11f: {  	s25 =	spop (v2sf)  }
0x120: {  	v0 =	vbroadcast v8, $0xF;
	v7 =	vbroadcast v9, $0xF;
	s22 =	spop (v2sf)  }
0x121: {  	v10 =	vmul.f32 v2, v3;
	v3 =	vbroadcast v11, $0xF;
	s24 =	spop (v2sf)  }
0x122: {  	v0 =	vsel vm0, v0, v7;
	v7 =	vbroadcast v12, $0xF;
	s23 =	spop (v2sf)  }
0x123: {  	v2 =	vadd.f32 v10, v4;
	v0 =	vsel vm1, v0, v3;
	v3 =	vbroadcast v14, $0xF;
	s23 =	sxor.u32 $0x80000000, s23  }
0x124: {  	v18 =	vbroadcast v51, $0xF;
	v0 =	vsel vm2, v0, v7;
	v24 =	vmov s23  }
0x125: {  	v25 =	vbroadcast v5, $0xF;
	(xrf2) =	vadd.scan.msk.f32 $0xffff, v2;
	v0 =	vsel vm3, v0, v3;
	vm5 =	veq.s32 v24, v35  }
0x126: {  	v27 =	vbroadcast v21, $0xF;
	v0 =	vsel vm4, v0, v18;
	v26 =	vsel vm5, $0xFF61B1E6, v6  }
0x127: {  	v28 =	vbroadcast v23, $0xF;
	v0 =	vsel vm6, v0, v25;
	(xrf0) =	vmax.scan.msk.f32 $0xffff, v26  }
0x128: {  	v29 =	vbroadcast v15, $0xF;
	v0 =	vsel vm7, v0, v27  }
0x129: {  	v30 =	vbroadcast v17, $0xF;
	v0 =	vsel vm8, v0, v28  }
0x12a: {  	v31 =	vbroadcast v19, $0xF;
	v0 =	vsel vm9, v0, v29  }
0x12b: {  	v1 =	vbroadcast v1, $0xF;
	v0 =	vsel vm10, v0, v30  }
0x12c: {  	v32 =	vbroadcast v20, $0xF;
	v0 =	vsel vm11, v0, v31  }
0x12d: {  	v33 =	vbroadcast v22, $0xF;
	v0 =	vsel vm12, v0, v1;
	v34, _, _ =	vpop (xrf0)  }
0x12e: {  	v0 =	vsel vm13, v0, v32;
	v37 =	vbroadcast v34, $0xF  }
0x12f: {  	v38, _, _ =	vpop (xrf2);
	v0 =	vsel vm14, v0, v33  }
0x130: {  	v0 =	vsel vm15, v0, v38;
	vm5 =	veq.f32 v26, v37  }
0x131: {  	v0 =	vadd.f32 v0, v36;
	v39 =	vnsel vm5, $0x80000010, v16  }
0x132: {  	(xrf0) =	vmin.scan.msk.u32 $0xffff, v39  }
0x133: {  	(xrf0) =	vmax.scan.msk.f32 $0xffff, v0;
	_ =	sdelay $0x4  }
0x134: {  	v1, _, _ =	vpop (xrf0)  }
0x135: {  	v40, _, _ =	vpop (xrf0)  }
0x136: {  	v41 =	vbroadcast v40, $0xF;
	_ =	sdelay $0x1  }
0x137: {  	vm5 =	veq.f32 v0, v41  }
0x138: {  	v3 =	vnsel vm5, $0x80000010, v16  }
0x139: {  	(xrf0) =	vmin.scan.msk.u32 $0xffff, v3;
	_ =	sdelay $0x3  }
0x13a: {  	(v2sf) =	vpush v34, $0xF  }
0x13b: {  	(v2sf) =	vpush v1, $0xF  }
0x13c: {  	(v2sf) =	vpush v40, $0xF;
	v42, _, _ =	vpop (xrf0)  }
0x13d: {  	(v2sf) =	vpush v42, $0xF;
	_ =	sdelay $0x3  }
0x13e: {  	s17 =	ssub.f32 s21, s17;
	_ =	sdelay $0x1  }
0x13f: {  	v43 =	vmov s17  }
0x140: {  	v1 =	vmul.f32 $1.442695020e+00, v43;
	_ =	sdelay $0x1  }
0x141: {  	v1 =	vbroadcast v1, $0x0;
	_ =	sdelay $0x1  }
0x142: {  	(erf) = vpow2.f32 v1  }
0x143: {  	s26 =	spop (v2sf)  }
0x144: {  	s30 =	spop (v2sf)  }
0x145: {  	s28 =	spop (v2sf)  }
0x146: {  	s31 =	spop (v2sf)  }
0x147: {  	s17 =	sxor.u32 $0x80000000, s31  }
0x148: {  	s20 =	ssub.f32 s25, s20;
	v44 =	vmov s17  }
0x149: {  	vm5 =	veq.s32 v44, v35  }
0x14a: {  	v45 =	vmov s20;
	v0 =	vsel vm5, $0xFF61B1E6, v0  }
0x14b: {  	v1 =	vmul.f32 $1.442695020e+00, v45;
	v46 =	vpop (erf);
	(xrf0) =	vmax.scan.msk.f32 $0xffff, v0  }
0x14c: {  	v47 =	vadd.f32 $1.000000000e+00, v46  }
0x14d: {  	v1 =	vbroadcast v1, $0x0  }
0x14e: {  	(erf) = vrcp.f32 v47  }
0x14f: {  	(erf) = vpow2.f32 v1;
	_ =	sdelay $0x1  }
0x150: {  	v48, _, _ =	vpop (xrf0)  }
0x151: {  	(v2sf) =	vpush v48, $0xF;
	_ =	sdelay $0x2  }
0x152: {  	s25 =	ssub.f32 s26, s24;
	_ =	sdelay $0x1  }
0x153: {  	v49 =	vmov s25;
	v3 =	vpop (erf)  }
0x154: {  	v4 =	vmul.f32 $1.442695020e+00, v49;
	v50 =	vpop (erf)  }
0x155: {  	v51 =	vadd.f32 $1.000000000e+00, v50  }
0x156: {  	v4 =	vbroadcast v4, $0x0  }
0x157: {  	(erf) = vrcp.f32 v51  }
0x158: {  	(erf) = vpow2.f32 v4;
	_ =	sdelay $0x4  }
0x159: {  	s26 =	spop (v2sf)  }
0x15a: {  	s20 =	ssub.f32 s26, s28;
	_ =	sdelay $0x1  }
0x15b: {  	v6 =	vpop (erf);
	v52 =	vmov s20  }
0x15c: {  	v53 =	vpop (erf);
	v4 =	vmul.f32 $1.442695020e+00, v52  }
0x15d: {  	v1 =	vbroadcast v48, $0xF;
	v54 =	vadd.f32 $1.000000000e+00, v53  }
0x15e: {  	v4 =	vbroadcast v4, $0x0  }
0x15f: {  	vm5 =	veq.f32 v0, v1;
	(erf) = vrcp.f32 v54  }
0x160: {  	v0 =	vnsel vm5, $0x80000010, v16;
	(erf) = vpow2.f32 v4  }
0x161: {  	(xrf0) =	vmin.scan.msk.u32 $0xffff, v0;
	_ =	sdelay $0x5  }
0x162: {  	v0, _, _ =	vpop (xrf0)  }
0x163: {  	v55 =	vpop (erf)  }
0x164: {  	(v2sf) =	vpush v0, $0xF;
	v56 =	vpop (erf)  }
0x165: {  	v57 =	vadd.f32 $1.000000000e+00, v56  }
0x166: {  	v2 =	vmul.f32 v3, v46  }
0x167: {  	v3 =	vnsel vm0, $0x0, v3;
	vm5 =	vcmask $0x320;
	(erf) = vrcp.f32 v57  }
0x168: {  	v2 =	vsel vm5, v3, v2;
	vm5 =	vcmask $0x300  }
0x169: {  	v58 =	vnsel vm5, $0x0, v13;
	vm5 =	vcmask $0x720  }
0x16a: {  	s18 =	sxor.u32 $0x80000000, s29;
	v59 =	vmul.f32 v6, v50;
	v2 =	vsel vm5, v2, v6;
	vm5 =	vcmask $0x704  }
0x16b: {  	v3 =	vsel vm5, s18, v58;
	vm5 =	vcmask $0xB20  }
0x16c: {  	v2 =	vsel vm5, v2, v59;
	vm5 =	vcmask $0xB08  }
0x16d: {  	s29 =	sxor.u32 $0x80000000, s22;
	v3 =	vsel vm5, s19, v3;
	vm5 =	veq.s32 v35, $0x3  }
0x16e: {  	v3 =	vsel vm5, s29, v3;
	vm5 =	vcmask $0xF20;
	v60 =	vmul.f32 v55, v53  }
0x16f: {  	v1 =	vsel vm5, v2, v55;
	vm5 =	vcmask $0x1320  }
0x170: {  	vm6 =	vcmask $0x1720;
	v1 =	vsel vm5, v1, v60;
	vm5 =	vcmask $0x1310;
	v61 =	vpop (erf)  }
0x171: {  	s30 =	sxor.u32 $0x80000000, s30;
	v3 =	vsel vm5, s23, v3;
	vm5 =	veq.s32 v35, $0x5;
	v0 =	vmul.f32 v61, v56  }
0x172: {  	v62 =	vsel vm5, s30, v3;
	vm5 =	vcmask $0x1B20;
	v1 =	vsel vm6, v1, v61  }
0x173: {  	s31 =	spop (v2sf);
	v0 =	vsel vm5, v1, v0;
	vm5 =	vcmask $0x1B18  }
0x174: {  	s18 =	sxor.u32 $0x80000000, s31;
	v63 =	vsel vm5, s17, v62;
	vm5 =	veq.s32 v35, $0x7  }
0x175: {  	[tilespmem:$0x5080] =	vst v0;
	v1 =	vsel vm5, s18, v63  }
0x176: {  	[tilespmem:$0x5100] =	vst v1  }
0x177: {  	[hbm4b:s6+s3] =	stream.linear.scatter [tilespmem:s14], [sflag:$0x1], $0x8, $0x38;
	[tilespmem:$0x5180] =	vst v63  }
0x178: {  	s16 =	sadd.s32 $0x1, s16;
	_ =	swait.ge [sflag:s10], $0x8  }
0x179: {  	p0 =	sne.s32 s16, s8;
	[sflag:s10] =	ssyncset.done $0x0  }
.Ltmp2:
0x17a: {  	[sflag:s10] =	ssyncadd.s32 $0xFFFFFFF8;
	(pc) =	sbr.rel @p0 .LBB2_1-.Ltmp2, $4  }
0x17b: {  	[hbm4b:s7+s3] =	stream.linear.scatter [tilespmem:s15], [sflag:$0x1], $0x8, $0x38;
	[tilespmem:$0x5180] =	vst v63  }
0x17c: {  	_ =	swait.ge [sflag:s10], $0x8  }
0x17d: {  	[sflag:s10] =	ssyncset.done $0x0  }
0x17e: {  	[sflag:s10] =	ssyncadd.s32 $0xFFFFFFF8  }
0x17f: {  	_ =	sfence.sel $0x180000  }
0x180: {  	[bflag:$0x0] =	sbarrier.arrive $0xFFFF  }
0x181: {  	p0 =	sne.s32 s2, $0x0;
	_ =	strace $0x90000047  }
0x182: {  	s0 =	sadd.s32 @!p0 $0x100000, s0;
	[bflag:$0x2] =	sbarrier.arrive $0xFFFF  }
0x183: {  	[sflag:s0] =	ssyncadd.tile.s32 @!p0 $0x1;
	_ =	shalt  }
.Lfunc_end2:
_tile_overlayer_lowered:
.L_overlay_start_2:
0x184: {  	(tag) =	ssettag $0x2  }
0x185: {  	s0 =	rddreg [dreg:$0x0];
	s2 =	stileid.u32  }
0x186: {  	s1 =	rddreg [dreg:$0x1];
	p0 =	sne.s32 s2, $0x0  }
0x187: {  	s3 =	rddreg [dreg:$0x2];
	[bflag:$0x3] =	sbarrier.arrive $0xFFFF;
	s2 =	simm.s32 @!p0 $0x1C01  }
0x188: {  	[timem:s3], [sflag:s2] =	dma.local @!p0 [hbm:s0], s1  }
0x189: {  	s0 =	simm.s32 @!p0 $0x1  }
0x18a: {  	_ =	swait.ge @!p0 [sflag:s0], s1  }
0x18b: {  	s1 =	ssub.s32 @!p0 $0x0, s1;
	[sflag:s0] =	ssyncset.done @!p0 $0x0  }
0x18c: {  	[sflag:s0] =	ssyncadd.s32 @!p0 s1  }
0x18d: {  	[bflag:$0x3] =	sbarrier.arrive $0xFFFF  }
0x18e: {  	_ =	shalt  }

</sc_bundles>
